<compile_context>
chip_gen: v7x
topology: tpu7x:2x2x1
jax: 0.10.2.dev20260603
libtpu: 0.0.44.dev20260713+nightly
codegen_flags: <defaults>
</compile_context>

<pallas_src>
import functools

import jax
import jax.numpy as jnp
from jax import lax
from jax.experimental import pallas as pl
from jax.experimental.pallas import tpu as pltpu
from jax.experimental.pallas import tpu_sc as plsc

_F = 16
_LANES = 16
_V = 100000
_VBINS = _V + _LANES
_PAD_ID = _V + 1


def _sc_count_kernel(nc, rpt, lp, src_hbm, dst_hbm, zeros_hbm, ws_hbm,
                     wd_hbm, srows, drows, hist):
    nch = lp // _LANES
    wid = lax.axis_index("s") * nc + lax.axis_index("c")
    base = wid * rpt

    pltpu.sync_copy(zeros_hbm, hist)
    pltpu.sync_copy(src_hbm.at[pl.ds(base, rpt)], srows)
    pltpu.sync_copy(dst_hbm.at[pl.ds(base, rpt)], drows)

    ones = jnp.full((_LANES,), 1, jnp.int32)
    hi_ones = jnp.full((_LANES,), 65536, jnp.int32)
    zeros16 = jnp.zeros((_LANES,), jnp.int32)

    def row_body(r, carry):
        s_chunks = [srows[r, pl.ds(c * _LANES, _LANES)] for c in range(nch)]
        d_chunks = [drows[r, pl.ds(c * _LANES, _LANES)] for c in range(nch)]
        for c in range(nch):
            plsc.addupdate_scatter(hist, [s_chunks[c]], ones)
        for c in range(nch):
            plsc.addupdate_scatter(hist, [d_chunks[c]], hi_ones)
        for c in range(nch):
            w = plsc.load_gather(hist, [s_chunks[c]])
            srows[r, pl.ds(c * _LANES, _LANES)] = jnp.where(
                s_chunks[c] == 0, 0, w)
        for c in range(nch):
            w = plsc.load_gather(hist, [d_chunks[c]])
            drows[r, pl.ds(c * _LANES, _LANES)] = jnp.where(
                d_chunks[c] == 0, 0, w)
        for c in range(nch):
            plsc.store_scatter(hist, [s_chunks[c]], zeros16)
        for c in range(nch):
            plsc.store_scatter(hist, [d_chunks[c]], zeros16)
        return carry

    lax.fori_loop(0, rpt, row_body, 0)

    pltpu.sync_copy(srows, ws_hbm.at[pl.ds(base, rpt)])
    pltpu.sync_copy(drows, wd_hbm.at[pl.ds(base, rpt)])


def _sc_counts(src_pad, dst_pad, zeros):
    b, lp = src_pad.shape
    info = plsc.get_sparse_core_info()
    nc, ns = info.num_cores, info.num_subcores
    nw = nc * ns
    rpt = b // nw
    mesh = plsc.VectorSubcoreMesh(core_axis_name="c", subcore_axis_name="s")
    out_t = jax.ShapeDtypeStruct((b, lp), jnp.int32)
    fn = pl.kernel(
        functools.partial(_sc_count_kernel, nc, rpt, lp),
        out_type=[out_t, out_t],
        mesh=mesh,
        scratch_types=[
            pltpu.VMEM((rpt, lp), jnp.int32),
            pltpu.VMEM((rpt, lp), jnp.int32),
            pltpu.VMEM((_VBINS,), jnp.int32),
        ],
        compiler_params=pltpu.CompilerParams(needs_layout_passes=False),
    )
    return fn(src_pad, dst_pad, zeros)


def _mlp_kernel(l, ws_ref, wd_ref, rep_ref, w1t_ref, b1t_ref, d128_ref,
                b2t_ref, os_ref, od_ref):
    rep = rep_ref[...]
    w1t = w1t_ref[...]
    b1t = b1t_ref[...]
    b2t = b2t_ref[...]
    d128 = d128_ref[...]

    def side(word, out_ref):
        word = word[:, :l]
        c1 = (word & 0xFFFF).astype(jnp.float32).astype(jnp.bfloat16)
        c2 = (word >> 16).astype(jnp.float32).astype(jnp.bfloat16)
        c1r = jnp.dot(c1, rep, preferred_element_type=jnp.float32)
        c2r = jnp.dot(c2, rep, preferred_element_type=jnp.float32)
        h = (jax.nn.relu(c1r * w1t + b1t)
             + jax.nn.relu(c2r * w1t + b1t))
        for t in range(l * _F // 128):
            lo, hi = t * 128, (t + 1) * 128
            out_ref[:, lo:hi] = (
                jnp.dot(h[:, lo:hi], d128,
                        preferred_element_type=jnp.float32)
                + b2t[:, lo:hi])

    side(ws_ref[...], os_ref)
    side(wd_ref[...], od_ref)


@jax.jit
def kernel(src_ids, dst_ids, W1, b1, W2, b2):
    b, l = src_ids.shape
    lp = -(-l // _LANES) * _LANES
    src_pad = jnp.pad(src_ids, ((0, 0), (0, lp - l)),
                      constant_values=_PAD_ID)
    dst_pad = jnp.pad(dst_ids, ((0, 0), (0, lp - l)),
                      constant_values=_PAD_ID)
    zeros = jnp.zeros((_VBINS,), jnp.int32)

    ws, wd = _sc_counts(src_pad, dst_pad, zeros)

    lf = l * _F
    rep = jnp.repeat(jnp.eye(l, dtype=jnp.bfloat16), _F, axis=1)
    w1t = jnp.tile(W1.reshape(_F), l).reshape(1, lf)
    b1t = jnp.tile(b1, l).reshape(1, lf)
    b2t = jnp.tile(2.0 * b2, l).reshape(1, lf)
    d128 = jnp.kron(jnp.eye(128 // _F, dtype=jnp.float32), W2.T)

    r = 256
    cnt_spec = pl.BlockSpec((r, lp), lambda i: (i, 0))
    full = lambda shape: pl.BlockSpec(shape, lambda i: (0, 0))
    out_spec = pl.BlockSpec((r, lf), lambda i: (i, 0))
    out_shape = jax.ShapeDtypeStruct((b, lf), jnp.float32)

    os, od = pl.pallas_call(
        functools.partial(_mlp_kernel, l),
        grid=(b // r,),
        in_specs=[cnt_spec, cnt_spec,
                  full((l, lf)), full((1, lf)), full((1, lf)),
                  full((128, 128)), full((1, lf))],
        out_specs=[out_spec, out_spec],
        out_shape=[out_shape, out_shape],
    )(ws, wd, rep, w1t, b1t, d128, b2t)
    return (os.reshape(b, l, _F), od.reshape(b, l, _F))

# --- scband reference (transcript-rebuilt; emitter-appended) ---
"""Pipeline reference for scband-neighbor-cooccurrence-encoder-24275155157491 (READ-ONLY COPY).

The authoritative reference and input builder live on the scoring server;
editing this copy changes nothing except your own understanding.
"""

import jax, jax.numpy as jnp
import numpy as np

B = 1024
L = 200
F = 16
V = 100000


def setup_inputs(seed: int = 0) -> dict:
    key = jax.random.key(seed)
    k1, k2, k3, k4, k5, k6 = jax.random.split(key, 6)
    src_ids = jax.random.randint(k1, (B, L), 0, V, dtype=jnp.int32)
    dst_ids = jax.random.randint(k2, (B, L), 0, V, dtype=jnp.int32)
    W1 = jax.random.normal(k3, (F, 1), dtype=jnp.float32) * 0.1
    b1 = jax.random.normal(k4, (F,), dtype=jnp.float32) * 0.1
    W2 = jax.random.normal(k5, (F, F), dtype=jnp.float32) * 0.1
    b2 = jax.random.normal(k6, (F,), dtype=jnp.float32) * 0.1
    return {"src_ids": src_ids, "dst_ids": dst_ids, "W1": W1, "b1": b1, "W2": W2, "b2": b2}


def _count_freq(a, b):
    # For each element a[i, j], count how many times that node id appears in row b[i, :].
    # Equivalent to np.unique counts + dict lookup in the torch reference.
    return (a[:, :, None] == b[:, None, :]).sum(axis=-1).astype(jnp.float32)


def reference(src_ids, dst_ids, W1, b1, W2, b2):
    ss = _count_freq(src_ids, src_ids)  # src neighbor freq within src list
    sd = _count_freq(src_ids, dst_ids)  # src neighbor freq within dst list
    dd = _count_freq(dst_ids, dst_ids)  # dst neighbor freq within dst list
    ds = _count_freq(dst_ids, src_ids)  # dst neighbor freq within src list
    source_freq = jnp.stack([ss, sd], axis=2)  # [B, L, 2]
    dst_freq = jnp.stack([dd, ds], axis=2)     # [B, L, 2]
    # zero out padded positions (node id == 0)
    source_freq = jnp.where((src_ids == 0)[:, :, None], 0.0, source_freq)
    dst_freq = jnp.where((dst_ids == 0)[:, :, None], 0.0, dst_freq)

    def encode(freq):
        h = freq[..., None] @ W1.T + b1       # [B, L, 2, F]
        h = jax.nn.relu(h)
        h = h @ W2.T + b2                     # [B, L, 2, F]
        return h.sum(axis=2)                  # [B, L, F]

    return (encode(source_freq), encode(dst_freq))

if __name__ == "__main__":
    import jax
    _d = setup_inputs()
    print(jax.jit(kernel)(*tuple(_d.values())))

</pallas_src>

<mosaic_0001>
#map = affine_map<(d0, d1) -> (0, 0)>
#map1 = affine_map<(d0, d1) -> (0)>
module attributes {stable_mosaic.version = 14 : i64} {
  func.func @_sc_count_kernel(%arg0: i32, %arg1: i32, %arg2: memref<1024x208xi32, #tpu.memory_space<hbm>>, %arg3: memref<1024x208xi32, #tpu.memory_space<hbm>>, %arg4: memref<100016xi32, #tpu.memory_space<hbm>>, %arg5: memref<1024x208xi32, #tpu.memory_space<hbm>>, %arg6: memref<1024x208xi32, #tpu.memory_space<hbm>>, %arg7: memref<32x208xi32, #tpu.memory_space<vmem>>, %arg8: memref<32x208xi32, #tpu.memory_space<vmem>>, %arg9: memref<100016xi32, #tpu.memory_space<vmem>>) attributes {dimension_semantics = [#tpu.dimension_semantics<core_parallel>, #tpu.dimension_semantics<subcore_parallel>], iteration_bounds = array<i64: 2, 16>, scalar_prefetch = 0 : i64, scratch_operands = 3 : i64, tpu.core_type = #tpu.core_type<sc_vector_subcore>, window_params = [{transform_indices = #map}, {transform_indices = #map}, {transform_indices = #map1}, {transform_indices = #map}, {transform_indices = #map}]} {
    %mul3A = arith.constant 2 : i32
    %mul3A_0 = arith.muli %arg1, %mul3A : i32
    %add3A = arith.addi %mul3A_0, %arg0 : i32
    %mul3A_1 = arith.constant 32 : i32
    %mul3A_2 = arith.muli %add3A, %mul3A_1 : i32
    "tpu.region"() ({
      %run_scoped3A = tpu.sem_alloc : memref<!tpu.dma_semaphore, #tpu.memory_space<semaphore_mem>>
      tpu.enqueue_dma source(%arg4 : memref<100016xi32, #tpu.memory_space<hbm>>) target(%arg9 : memref<100016xi32, #tpu.memory_space<vmem>>) target_semaphore(%run_scoped3A : memref<!tpu.dma_semaphore, #tpu.memory_space<semaphore_mem>>)
      tpu.wait_dma2 semaphore(%run_scoped3A : memref<!tpu.dma_semaphore, #tpu.memory_space<semaphore_mem>>) src(%arg4 : memref<100016xi32, #tpu.memory_space<hbm>>) dst(%arg9 : memref<100016xi32, #tpu.memory_space<vmem>>)
      tpu.yield
    }) : () -> ()
    "tpu.region"() ({
      %run_scoped3A = tpu.sem_alloc : memref<!tpu.dma_semaphore, #tpu.memory_space<semaphore_mem>>
      %dma_start3A = arith.constant 0 : i32
      %dma_start3A_13 = tpu.memref_slice %arg2[%mul3A_2, %dma_start3A] : memref<1024x208xi32, #tpu.memory_space<hbm>> -> memref<32x208xi32, #tpu.memory_space<hbm>>
      %dma_start3A_14 = arith.constant 0 : i32
      %dma_start3A_15 = tpu.memref_slice %arg2[%mul3A_2, %dma_start3A_14] : memref<1024x208xi32, #tpu.memory_space<hbm>> -> memref<32x208xi32, #tpu.memory_space<hbm>>
      tpu.enqueue_dma source(%dma_start3A_15 : memref<32x208xi32, #tpu.memory_space<hbm>>) target(%arg7 : memref<32x208xi32, #tpu.memory_space<vmem>>) target_semaphore(%run_scoped3A : memref<!tpu.dma_semaphore, #tpu.memory_space<semaphore_mem>>)
      %dma_wait3A = arith.constant 0 : i32
      %dma_wait3A_16 = tpu.memref_slice %arg2[%mul3A_2, %dma_wait3A] : memref<1024x208xi32, #tpu.memory_space<hbm>> -> memref<32x208xi32, #tpu.memory_space<hbm>>
      %dma_wait3A_17 = arith.constant 0 : i32
      %dma_wait3A_18 = tpu.memref_slice %arg2[%mul3A_2, %dma_wait3A_17] : memref<1024x208xi32, #tpu.memory_space<hbm>> -> memref<32x208xi32, #tpu.memory_space<hbm>>
      tpu.wait_dma2 semaphore(%run_scoped3A : memref<!tpu.dma_semaphore, #tpu.memory_space<semaphore_mem>>) src(%dma_wait3A_18 : memref<32x208xi32, #tpu.memory_space<hbm>>) dst(%arg7 : memref<32x208xi32, #tpu.memory_space<vmem>>)
      tpu.yield
    }) : () -> ()
    "tpu.region"() ({
      %run_scoped3A = tpu.sem_alloc : memref<!tpu.dma_semaphore, #tpu.memory_space<semaphore_mem>>
      %dma_start3A = arith.constant 0 : i32
      %dma_start3A_13 = tpu.memref_slice %arg3[%mul3A_2, %dma_start3A] : memref<1024x208xi32, #tpu.memory_space<hbm>> -> memref<32x208xi32, #tpu.memory_space<hbm>>
      %dma_start3A_14 = arith.constant 0 : i32
      %dma_start3A_15 = tpu.memref_slice %arg3[%mul3A_2, %dma_start3A_14] : memref<1024x208xi32, #tpu.memory_space<hbm>> -> memref<32x208xi32, #tpu.memory_space<hbm>>
      tpu.enqueue_dma source(%dma_start3A_15 : memref<32x208xi32, #tpu.memory_space<hbm>>) target(%arg8 : memref<32x208xi32, #tpu.memory_space<vmem>>) target_semaphore(%run_scoped3A : memref<!tpu.dma_semaphore, #tpu.memory_space<semaphore_mem>>)
      %dma_wait3A = arith.constant 0 : i32
      %dma_wait3A_16 = tpu.memref_slice %arg3[%mul3A_2, %dma_wait3A] : memref<1024x208xi32, #tpu.memory_space<hbm>> -> memref<32x208xi32, #tpu.memory_space<hbm>>
      %dma_wait3A_17 = arith.constant 0 : i32
      %dma_wait3A_18 = tpu.memref_slice %arg3[%mul3A_2, %dma_wait3A_17] : memref<1024x208xi32, #tpu.memory_space<hbm>> -> memref<32x208xi32, #tpu.memory_space<hbm>>
      tpu.wait_dma2 semaphore(%run_scoped3A : memref<!tpu.dma_semaphore, #tpu.memory_space<semaphore_mem>>) src(%dma_wait3A_18 : memref<32x208xi32, #tpu.memory_space<hbm>>) dst(%arg8 : memref<32x208xi32, #tpu.memory_space<vmem>>)
      tpu.yield
    }) : () -> ()
    %broadcast_in_dim3A = arith.constant 1 : i32
    %broadcast_in_dim3A_3 = vector.broadcast %broadcast_in_dim3A : i32 to vector<16xi32>
    %broadcast_in_dim3A_4 = arith.constant 65536 : i32
    %broadcast_in_dim3A_5 = vector.broadcast %broadcast_in_dim3A_4 : i32 to vector<16xi32>
    %broadcast_in_dim3A_6 = arith.constant 0 : i32
    %broadcast_in_dim3A_7 = vector.broadcast %broadcast_in_dim3A_6 : i32 to vector<16xi32>
    %scan3A = arith.constant 0 : i32
    %scan3A_8 = arith.constant 0 : i32
    %scan3A_9 = arith.constant 32 : i32
    %scan3A_10 = arith.addi %scan3A_8, %scan3A_9 : i32
    %scan3A_11 = arith.constant 1 : i32
    scf.for %scan3A_13 = %scan3A_8 to %scan3A_10 step %scan3A_11  : i32 {
      %get3A = arith.index_cast %scan3A_13 : i32 to index
      %get3A_14 = arith.constant 0 : index
      %get3A_15 = tpu.vector_load %arg7[%get3A, %get3A_14] {strides = array<i32>} : memref<32x208xi32, #tpu.memory_space<vmem>>, vector<16xi32>,
      %get3A_16 = arith.index_cast %scan3A_13 : i32 to index
      %get3A_17 = arith.constant 16 : index
      %get3A_18 = tpu.vector_load %arg7[%get3A_16, %get3A_17] {strides = array<i32>} : memref<32x208xi32, #tpu.memory_space<vmem>>, vector<16xi32>,
      %get3A_19 = arith.index_cast %scan3A_13 : i32 to index
      %get3A_20 = arith.constant 32 : index
      %get3A_21 = tpu.vector_load %arg7[%get3A_19, %get3A_20] {strides = array<i32>} : memref<32x208xi32, #tpu.memory_space<vmem>>, vector<16xi32>,
      %get3A_22 = arith.index_cast %scan3A_13 : i32 to index
      %get3A_23 = arith.constant 48 : index
      %get3A_24 = tpu.vector_load %arg7[%get3A_22, %get3A_23] {strides = array<i32>} : memref<32x208xi32, #tpu.memory_space<vmem>>, vector<16xi32>,
      %get3A_25 = arith.index_cast %scan3A_13 : i32 to index
      %get3A_26 = arith.constant 64 : index
      %get3A_27 = tpu.vector_load %arg7[%get3A_25, %get3A_26] {strides = array<i32>} : memref<32x208xi32, #tpu.memory_space<vmem>>, vector<16xi32>,
      %get3A_28 = arith.index_cast %scan3A_13 : i32 to index
      %get3A_29 = arith.constant 80 : index
      %get3A_30 = tpu.vector_load %arg7[%get3A_28, %get3A_29] {strides = array<i32>} : memref<32x208xi32, #tpu.memory_space<vmem>>, vector<16xi32>,
      %get3A_31 = arith.index_cast %scan3A_13 : i32 to index
      %get3A_32 = arith.constant 96 : index
      %get3A_33 = tpu.vector_load %arg7[%get3A_31, %get3A_32] {strides = array<i32>} : memref<32x208xi32, #tpu.memory_space<vmem>>, vector<16xi32>,
      %get3A_34 = arith.index_cast %scan3A_13 : i32 to index
      %get3A_35 = arith.constant 112 : index
      %get3A_36 = tpu.vector_load %arg7[%get3A_34, %get3A_35] {strides = array<i32>} : memref<32x208xi32, #tpu.memory_space<vmem>>, vector<16xi32>,
      %get3A_37 = arith.index_cast %scan3A_13 : i32 to index
      %get3A_38 = arith.constant 128 : index
      %get3A_39 = tpu.vector_load %arg7[%get3A_37, %get3A_38] {strides = array<i32>} : memref<32x208xi32, #tpu.memory_space<vmem>>, vector<16xi32>,
      %get3A_40 = arith.index_cast %scan3A_13 : i32 to index
      %get3A_41 = arith.constant 144 : index
      %get3A_42 = tpu.vector_load %arg7[%get3A_40, %get3A_41] {strides = array<i32>} : memref<32x208xi32, #tpu.memory_space<vmem>>, vector<16xi32>,
      %get3A_43 = arith.index_cast %scan3A_13 : i32 to index
      %get3A_44 = arith.constant 160 : index
      %get3A_45 = tpu.vector_load %arg7[%get3A_43, %get3A_44] {strides = array<i32>} : memref<32x208xi32, #tpu.memory_space<vmem>>, vector<16xi32>,
      %get3A_46 = arith.index_cast %scan3A_13 : i32 to index
      %get3A_47 = arith.constant 176 : index
      %get3A_48 = tpu.vector_load %arg7[%get3A_46, %get3A_47] {strides = array<i32>} : memref<32x208xi32, #tpu.memory_space<vmem>>, vector<16xi32>,
      %get3A_49 = arith.index_cast %scan3A_13 : i32 to index
      %get3A_50 = arith.constant 192 : index
      %get3A_51 = tpu.vector_load %arg7[%get3A_49, %get3A_50] {strides = array<i32>} : memref<32x208xi32, #tpu.memory_space<vmem>>, vector<16xi32>,
      %get3A_52 = arith.index_cast %scan3A_13 : i32 to index
      %get3A_53 = arith.constant 0 : index
      %get3A_54 = tpu.vector_load %arg8[%get3A_52, %get3A_53] {strides = array<i32>} : memref<32x208xi32, #tpu.memory_space<vmem>>, vector<16xi32>,
      %get3A_55 = arith.index_cast %scan3A_13 : i32 to index
      %get3A_56 = arith.constant 16 : index
      %get3A_57 = tpu.vector_load %arg8[%get3A_55, %get3A_56] {strides = array<i32>} : memref<32x208xi32, #tpu.memory_space<vmem>>, vector<16xi32>,
      %get3A_58 = arith.index_cast %scan3A_13 : i32 to index
      %get3A_59 = arith.constant 32 : index
      %get3A_60 = tpu.vector_load %arg8[%get3A_58, %get3A_59] {strides = array<i32>} : memref<32x208xi32, #tpu.memory_space<vmem>>, vector<16xi32>,
      %get3A_61 = arith.index_cast %scan3A_13 : i32 to index
      %get3A_62 = arith.constant 48 : index
      %get3A_63 = tpu.vector_load %arg8[%get3A_61, %get3A_62] {strides = array<i32>} : memref<32x208xi32, #tpu.memory_space<vmem>>, vector<16xi32>,
      %get3A_64 = arith.index_cast %scan3A_13 : i32 to index
      %get3A_65 = arith.constant 64 : index
      %get3A_66 = tpu.vector_load %arg8[%get3A_64, %get3A_65] {strides = array<i32>} : memref<32x208xi32, #tpu.memory_space<vmem>>, vector<16xi32>,
      %get3A_67 = arith.index_cast %scan3A_13 : i32 to index
      %get3A_68 = arith.constant 80 : index
      %get3A_69 = tpu.vector_load %arg8[%get3A_67, %get3A_68] {strides = array<i32>} : memref<32x208xi32, #tpu.memory_space<vmem>>, vector<16xi32>,
      %get3A_70 = arith.index_cast %scan3A_13 : i32 to index
      %get3A_71 = arith.constant 96 : index
      %get3A_72 = tpu.vector_load %arg8[%get3A_70, %get3A_71] {strides = array<i32>} : memref<32x208xi32, #tpu.memory_space<vmem>>, vector<16xi32>,
      %get3A_73 = arith.index_cast %scan3A_13 : i32 to index
      %get3A_74 = arith.constant 112 : index
      %get3A_75 = tpu.vector_load %arg8[%get3A_73, %get3A_74] {strides = array<i32>} : memref<32x208xi32, #tpu.memory_space<vmem>>, vector<16xi32>,
      %get3A_76 = arith.index_cast %scan3A_13 : i32 to index
      %get3A_77 = arith.constant 128 : index
      %get3A_78 = tpu.vector_load %arg8[%get3A_76, %get3A_77] {strides = array<i32>} : memref<32x208xi32, #tpu.memory_space<vmem>>, vector<16xi32>,
      %get3A_79 = arith.index_cast %scan3A_13 : i32 to index
      %get3A_80 = arith.constant 144 : index
      %get3A_81 = tpu.vector_load %arg8[%get3A_79, %get3A_80] {strides = array<i32>} : memref<32x208xi32, #tpu.memory_space<vmem>>, vector<16xi32>,
      %get3A_82 = arith.index_cast %scan3A_13 : i32 to index
      %get3A_83 = arith.constant 160 : index
      %get3A_84 = tpu.vector_load %arg8[%get3A_82, %get3A_83] {strides = array<i32>} : memref<32x208xi32, #tpu.memory_space<vmem>>, vector<16xi32>,
      %get3A_85 = arith.index_cast %scan3A_13 : i32 to index
      %get3A_86 = arith.constant 176 : index
      %get3A_87 = tpu.vector_load %arg8[%get3A_85, %get3A_86] {strides = array<i32>} : memref<32x208xi32, #tpu.memory_space<vmem>>, vector<16xi32>,
      %get3A_88 = arith.index_cast %scan3A_13 : i32 to index
      %get3A_89 = arith.constant 192 : index
      %get3A_90 = tpu.vector_load %arg8[%get3A_88, %get3A_89] {strides = array<i32>} : memref<32x208xi32, #tpu.memory_space<vmem>>, vector<16xi32>,
      tpu.vector_store_idx %arg9[%get3A_15], %broadcast_in_dim3A_3 {add = true} : memref<100016xi32, #tpu.memory_space<vmem>>[vector<16xi32>], vector<16xi32>,
      tpu.vector_store_idx %arg9[%get3A_18], %broadcast_in_dim3A_3 {add = true} : memref<100016xi32, #tpu.memory_space<vmem>>[vector<16xi32>], vector<16xi32>,
      tpu.vector_store_idx %arg9[%get3A_21], %broadcast_in_dim3A_3 {add = true} : memref<100016xi32, #tpu.memory_space<vmem>>[vector<16xi32>], vector<16xi32>,
      tpu.vector_store_idx %arg9[%get3A_24], %broadcast_in_dim3A_3 {add = true} : memref<100016xi32, #tpu.memory_space<vmem>>[vector<16xi32>], vector<16xi32>,
      tpu.vector_store_idx %arg9[%get3A_27], %broadcast_in_dim3A_3 {add = true} : memref<100016xi32, #tpu.memory_space<vmem>>[vector<16xi32>], vector<16xi32>,
      tpu.vector_store_idx %arg9[%get3A_30], %broadcast_in_dim3A_3 {add = true} : memref<100016xi32, #tpu.memory_space<vmem>>[vector<16xi32>], vector<16xi32>,
      tpu.vector_store_idx %arg9[%get3A_33], %broadcast_in_dim3A_3 {add = true} : memref<100016xi32, #tpu.memory_space<vmem>>[vector<16xi32>], vector<16xi32>,
      tpu.vector_store_idx %arg9[%get3A_36], %broadcast_in_dim3A_3 {add = true} : memref<100016xi32, #tpu.memory_space<vmem>>[vector<16xi32>], vector<16xi32>,
      tpu.vector_store_idx %arg9[%get3A_39], %broadcast_in_dim3A_3 {add = true} : memref<100016xi32, #tpu.memory_space<vmem>>[vector<16xi32>], vector<16xi32>,
      tpu.vector_store_idx %arg9[%get3A_42], %broadcast_in_dim3A_3 {add = true} : memref<100016xi32, #tpu.memory_space<vmem>>[vector<16xi32>], vector<16xi32>,
      tpu.vector_store_idx %arg9[%get3A_45], %broadcast_in_dim3A_3 {add = true} : memref<100016xi32, #tpu.memory_space<vmem>>[vector<16xi32>], vector<16xi32>,
      tpu.vector_store_idx %arg9[%get3A_48], %broadcast_in_dim3A_3 {add = true} : memref<100016xi32, #tpu.memory_space<vmem>>[vector<16xi32>], vector<16xi32>,
      tpu.vector_store_idx %arg9[%get3A_51], %broadcast_in_dim3A_3 {add = true} : memref<100016xi32, #tpu.memory_space<vmem>>[vector<16xi32>], vector<16xi32>,
      tpu.vector_store_idx %arg9[%get3A_54], %broadcast_in_dim3A_5 {add = true} : memref<100016xi32, #tpu.memory_space<vmem>>[vector<16xi32>], vector<16xi32>,
      tpu.vector_store_idx %arg9[%get3A_57], %broadcast_in_dim3A_5 {add = true} : memref<100016xi32, #tpu.memory_space<vmem>>[vector<16xi32>], vector<16xi32>,
      tpu.vector_store_idx %arg9[%get3A_60], %broadcast_in_dim3A_5 {add = true} : memref<100016xi32, #tpu.memory_space<vmem>>[vector<16xi32>], vector<16xi32>,
      tpu.vector_store_idx %arg9[%get3A_63], %broadcast_in_dim3A_5 {add = true} : memref<100016xi32, #tpu.memory_space<vmem>>[vector<16xi32>], vector<16xi32>,
      tpu.vector_store_idx %arg9[%get3A_66], %broadcast_in_dim3A_5 {add = true} : memref<100016xi32, #tpu.memory_space<vmem>>[vector<16xi32>], vector<16xi32>,
      tpu.vector_store_idx %arg9[%get3A_69], %broadcast_in_dim3A_5 {add = true} : memref<100016xi32, #tpu.memory_space<vmem>>[vector<16xi32>], vector<16xi32>,
      tpu.vector_store_idx %arg9[%get3A_72], %broadcast_in_dim3A_5 {add = true} : memref<100016xi32, #tpu.memory_space<vmem>>[vector<16xi32>], vector<16xi32>,
      tpu.vector_store_idx %arg9[%get3A_75], %broadcast_in_dim3A_5 {add = true} : memref<100016xi32, #tpu.memory_space<vmem>>[vector<16xi32>], vector<16xi32>,
      tpu.vector_store_idx %arg9[%get3A_78], %broadcast_in_dim3A_5 {add = true} : memref<100016xi32, #tpu.memory_space<vmem>>[vector<16xi32>], vector<16xi32>,
      tpu.vector_store_idx %arg9[%get3A_81], %broadcast_in_dim3A_5 {add = true} : memref<100016xi32, #tpu.memory_space<vmem>>[vector<16xi32>], vector<16xi32>,
      tpu.vector_store_idx %arg9[%get3A_84], %broadcast_in_dim3A_5 {add = true} : memref<100016xi32, #tpu.memory_space<vmem>>[vector<16xi32>], vector<16xi32>,
      tpu.vector_store_idx %arg9[%get3A_87], %broadcast_in_dim3A_5 {add = true} : memref<100016xi32, #tpu.memory_space<vmem>>[vector<16xi32>], vector<16xi32>,
      tpu.vector_store_idx %arg9[%get3A_90], %broadcast_in_dim3A_5 {add = true} : memref<100016xi32, #tpu.memory_space<vmem>>[vector<16xi32>], vector<16xi32>,
      %gather3A = tpu.vector_load_idx %arg9[%get3A_15] : memref<100016xi32, #tpu.memory_space<vmem>>[vector<16xi32>], vector<16xi32>,
      %eq3A = arith.constant 0 : i32
      %eq3A_91 = vector.broadcast %eq3A : i32 to vector<16xi32>
      %eq3A_92 = arith.cmpi eq, %get3A_15, %eq3A_91 : vector<16xi32>
      %jit3A = arith.constant 0 : i32
      %broadcast_in_dim3A_93 = vector.broadcast %jit3A : i32 to vector<16xi32>
      %select_n3A = arith.select %eq3A_92, %broadcast_in_dim3A_93, %gather3A : vector<16xi1>, vector<16xi32>
      %swap3A = arith.index_cast %scan3A_13 : i32 to index
      %swap3A_94 = arith.constant 0 : index
      %swap3A_95 = tpu.vector_load %arg7[%swap3A, %swap3A_94] {strides = array<i32>} : memref<32x208xi32, #tpu.memory_space<vmem>>, vector<16xi32>,
      tpu.vector_store %arg7[%swap3A, %swap3A_94], %select_n3A {strides = array<i32>} : memref<32x208xi32, #tpu.memory_space<vmem>>, vector<16xi32>,
      %gather3A_96 = tpu.vector_load_idx %arg9[%get3A_18] : memref<100016xi32, #tpu.memory_space<vmem>>[vector<16xi32>], vector<16xi32>,
      %eq3A_97 = arith.constant 0 : i32
      %eq3A_98 = vector.broadcast %eq3A_97 : i32 to vector<16xi32>
      %eq3A_99 = arith.cmpi eq, %get3A_18, %eq3A_98 : vector<16xi32>
      %jit3A_100 = arith.constant 0 : i32
      %broadcast_in_dim3A_101 = vector.broadcast %jit3A_100 : i32 to vector<16xi32>
      %select_n3A_102 = arith.select %eq3A_99, %broadcast_in_dim3A_101, %gather3A_96 : vector<16xi1>, vector<16xi32>
      %swap3A_103 = arith.index_cast %scan3A_13 : i32 to index
      %swap3A_104 = arith.constant 16 : index
      %swap3A_105 = tpu.vector_load %arg7[%swap3A_103, %swap3A_104] {strides = array<i32>} : memref<32x208xi32, #tpu.memory_space<vmem>>, vector<16xi32>,
      tpu.vector_store %arg7[%swap3A_103, %swap3A_104], %select_n3A_102 {strides = array<i32>} : memref<32x208xi32, #tpu.memory_space<vmem>>, vector<16xi32>,
      %gather3A_106 = tpu.vector_load_idx %arg9[%get3A_21] : memref<100016xi32, #tpu.memory_space<vmem>>[vector<16xi32>], vector<16xi32>,
      %eq3A_107 = arith.constant 0 : i32
      %eq3A_108 = vector.broadcast %eq3A_107 : i32 to vector<16xi32>
      %eq3A_109 = arith.cmpi eq, %get3A_21, %eq3A_108 : vector<16xi32>
      %jit3A_110 = arith.constant 0 : i32
      %broadcast_in_dim3A_111 = vector.broadcast %jit3A_110 : i32 to vector<16xi32>
      %select_n3A_112 = arith.select %eq3A_109, %broadcast_in_dim3A_111, %gather3A_106 : vector<16xi1>, vector<16xi32>
      %swap3A_113 = arith.index_cast %scan3A_13 : i32 to index
      %swap3A_114 = arith.constant 32 : index
      %swap3A_115 = tpu.vector_load %arg7[%swap3A_113, %swap3A_114] {strides = array<i32>} : memref<32x208xi32, #tpu.memory_space<vmem>>, vector<16xi32>,
      tpu.vector_store %arg7[%swap3A_113, %swap3A_114], %select_n3A_112 {strides = array<i32>} : memref<32x208xi32, #tpu.memory_space<vmem>>, vector<16xi32>,
      %gather3A_116 = tpu.vector_load_idx %arg9[%get3A_24] : memref<100016xi32, #tpu.memory_space<vmem>>[vector<16xi32>], vector<16xi32>,
      %eq3A_117 = arith.constant 0 : i32
      %eq3A_118 = vector.broadcast %eq3A_117 : i32 to vector<16xi32>
      %eq3A_119 = arith.cmpi eq, %get3A_24, %eq3A_118 : vector<16xi32>
      %jit3A_120 = arith.constant 0 : i32
      %broadcast_in_dim3A_121 = vector.broadcast %jit3A_120 : i32 to vector<16xi32>
      %select_n3A_122 = arith.select %eq3A_119, %broadcast_in_dim3A_121, %gather3A_116 : vector<16xi1>, vector<16xi32>
      %swap3A_123 = arith.index_cast %scan3A_13 : i32 to index
      %swap3A_124 = arith.constant 48 : index
      %swap3A_125 = tpu.vector_load %arg7[%swap3A_123, %swap3A_124] {strides = array<i32>} : memref<32x208xi32, #tpu.memory_space<vmem>>, vector<16xi32>,
      tpu.vector_store %arg7[%swap3A_123, %swap3A_124], %select_n3A_122 {strides = array<i32>} : memref<32x208xi32, #tpu.memory_space<vmem>>, vector<16xi32>,
      %gather3A_126 = tpu.vector_load_idx %arg9[%get3A_27] : memref<100016xi32, #tpu.memory_space<vmem>>[vector<16xi32>], vector<16xi32>,
      %eq3A_127 = arith.constant 0 : i32
      %eq3A_128 = vector.broadcast %eq3A_127 : i32 to vector<16xi32>
      %eq3A_129 = arith.cmpi eq, %get3A_27, %eq3A_128 : vector<16xi32>
      %jit3A_130 = arith.constant 0 : i32
      %broadcast_in_dim3A_131 = vector.broadcast %jit3A_130 : i32 to vector<16xi32>
      %select_n3A_132 = arith.select %eq3A_129, %broadcast_in_dim3A_131, %gather3A_126 : vector<16xi1>, vector<16xi32>
      %swap3A_133 = arith.index_cast %scan3A_13 : i32 to index
      %swap3A_134 = arith.constant 64 : index
      %swap3A_135 = tpu.vector_load %arg7[%swap3A_133, %swap3A_134] {strides = array<i32>} : memref<32x208xi32, #tpu.memory_space<vmem>>, vector<16xi32>,
      tpu.vector_store %arg7[%swap3A_133, %swap3A_134], %select_n3A_132 {strides = array<i32>} : memref<32x208xi32, #tpu.memory_space<vmem>>, vector<16xi32>,
      %gather3A_136 = tpu.vector_load_idx %arg9[%get3A_30] : memref<100016xi32, #tpu.memory_space<vmem>>[vector<16xi32>], vector<16xi32>,
      %eq3A_137 = arith.constant 0 : i32
      %eq3A_138 = vector.broadcast %eq3A_137 : i32 to vector<16xi32>
      %eq3A_139 = arith.cmpi eq, %get3A_30, %eq3A_138 : vector<16xi32>
      %jit3A_140 = arith.constant 0 : i32
      %broadcast_in_dim3A_141 = vector.broadcast %jit3A_140 : i32 to vector<16xi32>
      %select_n3A_142 = arith.select %eq3A_139, %broadcast_in_dim3A_141, %gather3A_136 : vector<16xi1>, vector<16xi32>
      %swap3A_143 = arith.index_cast %scan3A_13 : i32 to index
      %swap3A_144 = arith.constant 80 : index
      %swap3A_145 = tpu.vector_load %arg7[%swap3A_143, %swap3A_144] {strides = array<i32>} : memref<32x208xi32, #tpu.memory_space<vmem>>, vector<16xi32>,
      tpu.vector_store %arg7[%swap3A_143, %swap3A_144], %select_n3A_142 {strides = array<i32>} : memref<32x208xi32, #tpu.memory_space<vmem>>, vector<16xi32>,
      %gather3A_146 = tpu.vector_load_idx %arg9[%get3A_33] : memref<100016xi32, #tpu.memory_space<vmem>>[vector<16xi32>], vector<16xi32>,
      %eq3A_147 = arith.constant 0 : i32
      %eq3A_148 = vector.broadcast %eq3A_147 : i32 to vector<16xi32>
      %eq3A_149 = arith.cmpi eq, %get3A_33, %eq3A_148 : vector<16xi32>
      %jit3A_150 = arith.constant 0 : i32
      %broadcast_in_dim3A_151 = vector.broadcast %jit3A_150 : i32 to vector<16xi32>
      %select_n3A_152 = arith.select %eq3A_149, %broadcast_in_dim3A_151, %gather3A_146 : vector<16xi1>, vector<16xi32>
      %swap3A_153 = arith.index_cast %scan3A_13 : i32 to index
      %swap3A_154 = arith.constant 96 : index
      %swap3A_155 = tpu.vector_load %arg7[%swap3A_153, %swap3A_154] {strides = array<i32>} : memref<32x208xi32, #tpu.memory_space<vmem>>, vector<16xi32>,
      tpu.vector_store %arg7[%swap3A_153, %swap3A_154], %select_n3A_152 {strides = array<i32>} : memref<32x208xi32, #tpu.memory_space<vmem>>, vector<16xi32>,
      %gather3A_156 = tpu.vector_load_idx %arg9[%get3A_36] : memref<100016xi32, #tpu.memory_space<vmem>>[vector<16xi32>], vector<16xi32>,
      %eq3A_157 = arith.constant 0 : i32
      %eq3A_158 = vector.broadcast %eq3A_157 : i32 to vector<16xi32>
      %eq3A_159 = arith.cmpi eq, %get3A_36, %eq3A_158 : vector<16xi32>
      %jit3A_160 = arith.constant 0 : i32
      %broadcast_in_dim3A_161 = vector.broadcast %jit3A_160 : i32 to vector<16xi32>
      %select_n3A_162 = arith.select %eq3A_159, %broadcast_in_dim3A_161, %gather3A_156 : vector<16xi1>, vector<16xi32>
      %swap3A_163 = arith.index_cast %scan3A_13 : i32 to index
      %swap3A_164 = arith.constant 112 : index
      %swap3A_165 = tpu.vector_load %arg7[%swap3A_163, %swap3A_164] {strides = array<i32>} : memref<32x208xi32, #tpu.memory_space<vmem>>, vector<16xi32>,
      tpu.vector_store %arg7[%swap3A_163, %swap3A_164], %select_n3A_162 {strides = array<i32>} : memref<32x208xi32, #tpu.memory_space<vmem>>, vector<16xi32>,
      %gather3A_166 = tpu.vector_load_idx %arg9[%get3A_39] : memref<100016xi32, #tpu.memory_space<vmem>>[vector<16xi32>], vector<16xi32>,
      %eq3A_167 = arith.constant 0 : i32
      %eq3A_168 = vector.broadcast %eq3A_167 : i32 to vector<16xi32>
      %eq3A_169 = arith.cmpi eq, %get3A_39, %eq3A_168 : vector<16xi32>
      %jit3A_170 = arith.constant 0 : i32
      %broadcast_in_dim3A_171 = vector.broadcast %jit3A_170 : i32 to vector<16xi32>
      %select_n3A_172 = arith.select %eq3A_169, %broadcast_in_dim3A_171, %gather3A_166 : vector<16xi1>, vector<16xi32>
      %swap3A_173 = arith.index_cast %scan3A_13 : i32 to index
      %swap3A_174 = arith.constant 128 : index
      %swap3A_175 = tpu.vector_load %arg7[%swap3A_173, %swap3A_174] {strides = array<i32>} : memref<32x208xi32, #tpu.memory_space<vmem>>, vector<16xi32>,
      tpu.vector_store %arg7[%swap3A_173, %swap3A_174], %select_n3A_172 {strides = array<i32>} : memref<32x208xi32, #tpu.memory_space<vmem>>, vector<16xi32>,
      %gather3A_176 = tpu.vector_load_idx %arg9[%get3A_42] : memref<100016xi32, #tpu.memory_space<vmem>>[vector<16xi32>], vector<16xi32>,
      %eq3A_177 = arith.constant 0 : i32
      %eq3A_178 = vector.broadcast %eq3A_177 : i32 to vector<16xi32>
      %eq3A_179 = arith.cmpi eq, %get3A_42, %eq3A_178 : vector<16xi32>
      %jit3A_180 = arith.constant 0 : i32
      %broadcast_in_dim3A_181 = vector.broadcast %jit3A_180 : i32 to vector<16xi32>
      %select_n3A_182 = arith.select %eq3A_179, %broadcast_in_dim3A_181, %gather3A_176 : vector<16xi1>, vector<16xi32>
      %swap3A_183 = arith.index_cast %scan3A_13 : i32 to index
      %swap3A_184 = arith.constant 144 : index
      %swap3A_185 = tpu.vector_load %arg7[%swap3A_183, %swap3A_184] {strides = array<i32>} : memref<32x208xi32, #tpu.memory_space<vmem>>, vector<16xi32>,
      tpu.vector_store %arg7[%swap3A_183, %swap3A_184], %select_n3A_182 {strides = array<i32>} : memref<32x208xi32, #tpu.memory_space<vmem>>, vector<16xi32>,
      %gather3A_186 = tpu.vector_load_idx %arg9[%get3A_45] : memref<100016xi32, #tpu.memory_space<vmem>>[vector<16xi32>], vector<16xi32>,
      %eq3A_187 = arith.constant 0 : i32
      %eq3A_188 = vector.broadcast %eq3A_187 : i32 to vector<16xi32>
      %eq3A_189 = arith.cmpi eq, %get3A_45, %eq3A_188 : vector<16xi32>
      %jit3A_190 = arith.constant 0 : i32
      %broadcast_in_dim3A_191 = vector.broadcast %jit3A_190 : i32 to vector<16xi32>
      %select_n3A_192 = arith.select %eq3A_189, %broadcast_in_dim3A_191, %gather3A_186 : vector<16xi1>, vector<16xi32>
      %swap3A_193 = arith.index_cast %scan3A_13 : i32 to index
      %swap3A_194 = arith.constant 160 : index
      %swap3A_195 = tpu.vector_load %arg7[%swap3A_193, %swap3A_194] {strides = array<i32>} : memref<32x208xi32, #tpu.memory_space<vmem>>, vector<16xi32>,
      tpu.vector_store %arg7[%swap3A_193, %swap3A_194], %select_n3A_192 {strides = array<i32>} : memref<32x208xi32, #tpu.memory_space<vmem>>, vector<16xi32>,
      %gather3A_196 = tpu.vector_load_idx %arg9[%get3A_48] : memref<100016xi32, #tpu.memory_space<vmem>>[vector<16xi32>], vector<16xi32>,
      %eq3A_197 = arith.constant 0 : i32
      %eq3A_198 = vector.broadcast %eq3A_197 : i32 to vector<16xi32>
      %eq3A_199 = arith.cmpi eq, %get3A_48, %eq3A_198 : vector<16xi32>
      %jit3A_200 = arith.constant 0 : i32
      %broadcast_in_dim3A_201 = vector.broadcast %jit3A_200 : i32 to vector<16xi32>
      %select_n3A_202 = arith.select %eq3A_199, %broadcast_in_dim3A_201, %gather3A_196 : vector<16xi1>, vector<16xi32>
      %swap3A_203 = arith.index_cast %scan3A_13 : i32 to index
      %swap3A_204 = arith.constant 176 : index
      %swap3A_205 = tpu.vector_load %arg7[%swap3A_203, %swap3A_204] {strides = array<i32>} : memref<32x208xi32, #tpu.memory_space<vmem>>, vector<16xi32>,
      tpu.vector_store %arg7[%swap3A_203, %swap3A_204], %select_n3A_202 {strides = array<i32>} : memref<32x208xi32, #tpu.memory_space<vmem>>, vector<16xi32>,
      %gather3A_206 = tpu.vector_load_idx %arg9[%get3A_51] : memref<100016xi32, #tpu.memory_space<vmem>>[vector<16xi32>], vector<16xi32>,
      %eq3A_207 = arith.constant 0 : i32
      %eq3A_208 = vector.broadcast %eq3A_207 : i32 to vector<16xi32>
      %eq3A_209 = arith.cmpi eq, %get3A_51, %eq3A_208 : vector<16xi32>
      %jit3A_210 = arith.constant 0 : i32
      %broadcast_in_dim3A_211 = vector.broadcast %jit3A_210 : i32 to vector<16xi32>
      %select_n3A_212 = arith.select %eq3A_209, %broadcast_in_dim3A_211, %gather3A_206 : vector<16xi1>, vector<16xi32>
      %swap3A_213 = arith.index_cast %scan3A_13 : i32 to index
      %swap3A_214 = arith.constant 192 : index
      %swap3A_215 = tpu.vector_load %arg7[%swap3A_213, %swap3A_214] {strides = array<i32>} : memref<32x208xi32, #tpu.memory_space<vmem>>, vector<16xi32>,
      tpu.vector_store %arg7[%swap3A_213, %swap3A_214], %select_n3A_212 {strides = array<i32>} : memref<32x208xi32, #tpu.memory_space<vmem>>, vector<16xi32>,
      %gather3A_216 = tpu.vector_load_idx %arg9[%get3A_54] : memref<100016xi32, #tpu.memory_space<vmem>>[vector<16xi32>], vector<16xi32>,
      %eq3A_217 = arith.constant 0 : i32
      %eq3A_218 = vector.broadcast %eq3A_217 : i32 to vector<16xi32>
      %eq3A_219 = arith.cmpi eq, %get3A_54, %eq3A_218 : vector<16xi32>
      %jit3A_220 = arith.constant 0 : i32
      %broadcast_in_dim3A_221 = vector.broadcast %jit3A_220 : i32 to vector<16xi32>
      %select_n3A_222 = arith.select %eq3A_219, %broadcast_in_dim3A_221, %gather3A_216 : vector<16xi1>, vector<16xi32>
      %swap3A_223 = arith.index_cast %scan3A_13 : i32 to index
      %swap3A_224 = arith.constant 0 : index
      %swap3A_225 = tpu.vector_load %arg8[%swap3A_223, %swap3A_224] {strides = array<i32>} : memref<32x208xi32, #tpu.memory_space<vmem>>, vector<16xi32>,
      tpu.vector_store %arg8[%swap3A_223, %swap3A_224], %select_n3A_222 {strides = array<i32>} : memref<32x208xi32, #tpu.memory_space<vmem>>, vector<16xi32>,
      %gather3A_226 = tpu.vector_load_idx %arg9[%get3A_57] : memref<100016xi32, #tpu.memory_space<vmem>>[vector<16xi32>], vector<16xi32>,
      %eq3A_227 = arith.constant 0 : i32
      %eq3A_228 = vector.broadcast %eq3A_227 : i32 to vector<16xi32>
      %eq3A_229 = arith.cmpi eq, %get3A_57, %eq3A_228 : vector<16xi32>
      %jit3A_230 = arith.constant 0 : i32
      %broadcast_in_dim3A_231 = vector.broadcast %jit3A_230 : i32 to vector<16xi32>
      %select_n3A_232 = arith.select %eq3A_229, %broadcast_in_dim3A_231, %gather3A_226 : vector<16xi1>, vector<16xi32>
      %swap3A_233 = arith.index_cast %scan3A_13 : i32 to index
      %swap3A_234 = arith.constant 16 : index
      %swap3A_235 = tpu.vector_load %arg8[%swap3A_233, %swap3A_234] {strides = array<i32>} : memref<32x208xi32, #tpu.memory_space<vmem>>, vector<16xi32>,
      tpu.vector_store %arg8[%swap3A_233, %swap3A_234], %select_n3A_232 {strides = array<i32>} : memref<32x208xi32, #tpu.memory_space<vmem>>, vector<16xi32>,
      %gather3A_236 = tpu.vector_load_idx %arg9[%get3A_60] : memref<100016xi32, #tpu.memory_space<vmem>>[vector<16xi32>], vector<16xi32>,
      %eq3A_237 = arith.constant 0 : i32
      %eq3A_238 = vector.broadcast %eq3A_237 : i32 to vector<16xi32>
      %eq3A_239 = arith.cmpi eq, %get3A_60, %eq3A_238 : vector<16xi32>
      %jit3A_240 = arith.constant 0 : i32
      %broadcast_in_dim3A_241 = vector.broadcast %jit3A_240 : i32 to vector<16xi32>
      %select_n3A_242 = arith.select %eq3A_239, %broadcast_in_dim3A_241, %gather3A_236 : vector<16xi1>, vector<16xi32>
      %swap3A_243 = arith.index_cast %scan3A_13 : i32 to index
      %swap3A_244 = arith.constant 32 : index
      %swap3A_245 = tpu.vector_load %arg8[%swap3A_243, %swap3A_244] {strides = array<i32>} : memref<32x208xi32, #tpu.memory_space<vmem>>, vector<16xi32>,
      tpu.vector_store %arg8[%swap3A_243, %swap3A_244], %select_n3A_242 {strides = array<i32>} : memref<32x208xi32, #tpu.memory_space<vmem>>, vector<16xi32>,
      %gather3A_246 = tpu.vector_load_idx %arg9[%get3A_63] : memref<100016xi32, #tpu.memory_space<vmem>>[vector<16xi32>], vector<16xi32>,
      %eq3A_247 = arith.constant 0 : i32
      %eq3A_248 = vector.broadcast %eq3A_247 : i32 to vector<16xi32>
      %eq3A_249 = arith.cmpi eq, %get3A_63, %eq3A_248 : vector<16xi32>
      %jit3A_250 = arith.constant 0 : i32
      %broadcast_in_dim3A_251 = vector.broadcast %jit3A_250 : i32 to vector<16xi32>
      %select_n3A_252 = arith.select %eq3A_249, %broadcast_in_dim3A_251, %gather3A_246 : vector<16xi1>, vector<16xi32>
      %swap3A_253 = arith.index_cast %scan3A_13 : i32 to index
      %swap3A_254 = arith.constant 48 : index
      %swap3A_255 = tpu.vector_load %arg8[%swap3A_253, %swap3A_254] {strides = array<i32>} : memref<32x208xi32, #tpu.memory_space<vmem>>, vector<16xi32>,
      tpu.vector_store %arg8[%swap3A_253, %swap3A_254], %select_n3A_252 {strides = array<i32>} : memref<32x208xi32, #tpu.memory_space<vmem>>, vector<16xi32>,
      %gather3A_256 = tpu.vector_load_idx %arg9[%get3A_66] : memref<100016xi32, #tpu.memory_space<vmem>>[vector<16xi32>], vector<16xi32>,
      %eq3A_257 = arith.constant 0 : i32
      %eq3A_258 = vector.broadcast %eq3A_257 : i32 to vector<16xi32>
      %eq3A_259 = arith.cmpi eq, %get3A_66, %eq3A_258 : vector<16xi32>
      %jit3A_260 = arith.constant 0 : i32
      %broadcast_in_dim3A_261 = vector.broadcast %jit3A_260 : i32 to vector<16xi32>
      %select_n3A_262 = arith.select %eq3A_259, %broadcast_in_dim3A_261, %gather3A_256 : vector<16xi1>, vector<16xi32>
      %swap3A_263 = arith.index_cast %scan3A_13 : i32 to index
      %swap3A_264 = arith.constant 64 : index
      %swap3A_265 = tpu.vector_load %arg8[%swap3A_263, %swap3A_264] {strides = array<i32>} : memref<32x208xi32, #tpu.memory_space<vmem>>, vector<16xi32>,
      tpu.vector_store %arg8[%swap3A_263, %swap3A_264], %select_n3A_262 {strides = array<i32>} : memref<32x208xi32, #tpu.memory_space<vmem>>, vector<16xi32>,
      %gather3A_266 = tpu.vector_load_idx %arg9[%get3A_69] : memref<100016xi32, #tpu.memory_space<vmem>>[vector<16xi32>], vector<16xi32>,
      %eq3A_267 = arith.constant 0 : i32
      %eq3A_268 = vector.broadcast %eq3A_267 : i32 to vector<16xi32>
      %eq3A_269 = arith.cmpi eq, %get3A_69, %eq3A_268 : vector<16xi32>
      %jit3A_270 = arith.constant 0 : i32
      %broadcast_in_dim3A_271 = vector.broadcast %jit3A_270 : i32 to vector<16xi32>
      %select_n3A_272 = arith.select %eq3A_269, %broadcast_in_dim3A_271, %gather3A_266 : vector<16xi1>, vector<16xi32>
      %swap3A_273 = arith.index_cast %scan3A_13 : i32 to index
      %swap3A_274 = arith.constant 80 : index
      %swap3A_275 = tpu.vector_load %arg8[%swap3A_273, %swap3A_274] {strides = array<i32>} : memref<32x208xi32, #tpu.memory_space<vmem>>, vector<16xi32>,
      tpu.vector_store %arg8[%swap3A_273, %swap3A_274], %select_n3A_272 {strides = array<i32>} : memref<32x208xi32, #tpu.memory_space<vmem>>, vector<16xi32>,
      %gather3A_276 = tpu.vector_load_idx %arg9[%get3A_72] : memref<100016xi32, #tpu.memory_space<vmem>>[vector<16xi32>], vector<16xi32>,
      %eq3A_277 = arith.constant 0 : i32
      %eq3A_278 = vector.broadcast %eq3A_277 : i32 to vector<16xi32>
      %eq3A_279 = arith.cmpi eq, %get3A_72, %eq3A_278 : vector<16xi32>
      %jit3A_280 = arith.constant 0 : i32
      %broadcast_in_dim3A_281 = vector.broadcast %jit3A_280 : i32 to vector<16xi32>
      %select_n3A_282 = arith.select %eq3A_279, %broadcast_in_dim3A_281, %gather3A_276 : vector<16xi1>, vector<16xi32>
      %swap3A_283 = arith.index_cast %scan3A_13 : i32 to index
      %swap3A_284 = arith.constant 96 : index
      %swap3A_285 = tpu.vector_load %arg8[%swap3A_283, %swap3A_284] {strides = array<i32>} : memref<32x208xi32, #tpu.memory_space<vmem>>, vector<16xi32>,
      tpu.vector_store %arg8[%swap3A_283, %swap3A_284], %select_n3A_282 {strides = array<i32>} : memref<32x208xi32, #tpu.memory_space<vmem>>, vector<16xi32>,
      %gather3A_286 = tpu.vector_load_idx %arg9[%get3A_75] : memref<100016xi32, #tpu.memory_space<vmem>>[vector<16xi32>], vector<16xi32>,
      %eq3A_287 = arith.constant 0 : i32
      %eq3A_288 = vector.broadcast %eq3A_287 : i32 to vector<16xi32>
      %eq3A_289 = arith.cmpi eq, %get3A_75, %eq3A_288 : vector<16xi32>
      %jit3A_290 = arith.constant 0 : i32
      %broadcast_in_dim3A_291 = vector.broadcast %jit3A_290 : i32 to vector<16xi32>
      %select_n3A_292 = arith.select %eq3A_289, %broadcast_in_dim3A_291, %gather3A_286 : vector<16xi1>, vector<16xi32>
      %swap3A_293 = arith.index_cast %scan3A_13 : i32 to index
      %swap3A_294 = arith.constant 112 : index
      %swap3A_295 = tpu.vector_load %arg8[%swap3A_293, %swap3A_294] {strides = array<i32>} : memref<32x208xi32, #tpu.memory_space<vmem>>, vector<16xi32>,
      tpu.vector_store %arg8[%swap3A_293, %swap3A_294], %select_n3A_292 {strides = array<i32>} : memref<32x208xi32, #tpu.memory_space<vmem>>, vector<16xi32>,
      %gather3A_296 = tpu.vector_load_idx %arg9[%get3A_78] : memref<100016xi32, #tpu.memory_space<vmem>>[vector<16xi32>], vector<16xi32>,
      %eq3A_297 = arith.constant 0 : i32
      %eq3A_298 = vector.broadcast %eq3A_297 : i32 to vector<16xi32>
      %eq3A_299 = arith.cmpi eq, %get3A_78, %eq3A_298 : vector<16xi32>
      %jit3A_300 = arith.constant 0 : i32
      %broadcast_in_dim3A_301 = vector.broadcast %jit3A_300 : i32 to vector<16xi32>
      %select_n3A_302 = arith.select %eq3A_299, %broadcast_in_dim3A_301, %gather3A_296 : vector<16xi1>, vector<16xi32>
      %swap3A_303 = arith.index_cast %scan3A_13 : i32 to index
      %swap3A_304 = arith.constant 128 : index
      %swap3A_305 = tpu.vector_load %arg8[%swap3A_303, %swap3A_304] {strides = array<i32>} : memref<32x208xi32, #tpu.memory_space<vmem>>, vector<16xi32>,
      tpu.vector_store %arg8[%swap3A_303, %swap3A_304], %select_n3A_302 {strides = array<i32>} : memref<32x208xi32, #tpu.memory_space<vmem>>, vector<16xi32>,
      %gather3A_306 = tpu.vector_load_idx %arg9[%get3A_81] : memref<100016xi32, #tpu.memory_space<vmem>>[vector<16xi32>], vector<16xi32>,
      %eq3A_307 = arith.constant 0 : i32
      %eq3A_308 = vector.broadcast %eq3A_307 : i32 to vector<16xi32>
      %eq3A_309 = arith.cmpi eq, %get3A_81, %eq3A_308 : vector<16xi32>
      %jit3A_310 = arith.constant 0 : i32
      %broadcast_in_dim3A_311 = vector.broadcast %jit3A_310 : i32 to vector<16xi32>
      %select_n3A_312 = arith.select %eq3A_309, %broadcast_in_dim3A_311, %gather3A_306 : vector<16xi1>, vector<16xi32>
      %swap3A_313 = arith.index_cast %scan3A_13 : i32 to index
      %swap3A_314 = arith.constant 144 : index
      %swap3A_315 = tpu.vector_load %arg8[%swap3A_313, %swap3A_314] {strides = array<i32>} : memref<32x208xi32, #tpu.memory_space<vmem>>, vector<16xi32>,
      tpu.vector_store %arg8[%swap3A_313, %swap3A_314], %select_n3A_312 {strides = array<i32>} : memref<32x208xi32, #tpu.memory_space<vmem>>, vector<16xi32>,
      %gather3A_316 = tpu.vector_load_idx %arg9[%get3A_84] : memref<100016xi32, #tpu.memory_space<vmem>>[vector<16xi32>], vector<16xi32>,
      %eq3A_317 = arith.constant 0 : i32
      %eq3A_318 = vector.broadcast %eq3A_317 : i32 to vector<16xi32>
      %eq3A_319 = arith.cmpi eq, %get3A_84, %eq3A_318 : vector<16xi32>
      %jit3A_320 = arith.constant 0 : i32
      %broadcast_in_dim3A_321 = vector.broadcast %jit3A_320 : i32 to vector<16xi32>
      %select_n3A_322 = arith.select %eq3A_319, %broadcast_in_dim3A_321, %gather3A_316 : vector<16xi1>, vector<16xi32>
      %swap3A_323 = arith.index_cast %scan3A_13 : i32 to index
      %swap3A_324 = arith.constant 160 : index
      %swap3A_325 = tpu.vector_load %arg8[%swap3A_323, %swap3A_324] {strides = array<i32>} : memref<32x208xi32, #tpu.memory_space<vmem>>, vector<16xi32>,
      tpu.vector_store %arg8[%swap3A_323, %swap3A_324], %select_n3A_322 {strides = array<i32>} : memref<32x208xi32, #tpu.memory_space<vmem>>, vector<16xi32>,
      %gather3A_326 = tpu.vector_load_idx %arg9[%get3A_87] : memref<100016xi32, #tpu.memory_space<vmem>>[vector<16xi32>], vector<16xi32>,
      %eq3A_327 = arith.constant 0 : i32
      %eq3A_328 = vector.broadcast %eq3A_327 : i32 to vector<16xi32>
      %eq3A_329 = arith.cmpi eq, %get3A_87, %eq3A_328 : vector<16xi32>
      %jit3A_330 = arith.constant 0 : i32
      %broadcast_in_dim3A_331 = vector.broadcast %jit3A_330 : i32 to vector<16xi32>
      %select_n3A_332 = arith.select %eq3A_329, %broadcast_in_dim3A_331, %gather3A_326 : vector<16xi1>, vector<16xi32>
      %swap3A_333 = arith.index_cast %scan3A_13 : i32 to index
      %swap3A_334 = arith.constant 176 : index
      %swap3A_335 = tpu.vector_load %arg8[%swap3A_333, %swap3A_334] {strides = array<i32>} : memref<32x208xi32, #tpu.memory_space<vmem>>, vector<16xi32>,
      tpu.vector_store %arg8[%swap3A_333, %swap3A_334], %select_n3A_332 {strides = array<i32>} : memref<32x208xi32, #tpu.memory_space<vmem>>, vector<16xi32>,
      %gather3A_336 = tpu.vector_load_idx %arg9[%get3A_90] : memref<100016xi32, #tpu.memory_space<vmem>>[vector<16xi32>], vector<16xi32>,
      %eq3A_337 = arith.constant 0 : i32
      %eq3A_338 = vector.broadcast %eq3A_337 : i32 to vector<16xi32>
      %eq3A_339 = arith.cmpi eq, %get3A_90, %eq3A_338 : vector<16xi32>
      %jit3A_340 = arith.constant 0 : i32
      %broadcast_in_dim3A_341 = vector.broadcast %jit3A_340 : i32 to vector<16xi32>
      %select_n3A_342 = arith.select %eq3A_339, %broadcast_in_dim3A_341, %gather3A_336 : vector<16xi1>, vector<16xi32>
      %swap3A_343 = arith.index_cast %scan3A_13 : i32 to index
      %swap3A_344 = arith.constant 192 : index
      %swap3A_345 = tpu.vector_load %arg8[%swap3A_343, %swap3A_344] {strides = array<i32>} : memref<32x208xi32, #tpu.memory_space<vmem>>, vector<16xi32>,
      tpu.vector_store %arg8[%swap3A_343, %swap3A_344], %select_n3A_342 {strides = array<i32>} : memref<32x208xi32, #tpu.memory_space<vmem>>, vector<16xi32>,
      tpu.vector_store_idx %arg9[%get3A_15], %broadcast_in_dim3A_7 : memref<100016xi32, #tpu.memory_space<vmem>>[vector<16xi32>], vector<16xi32>,
      tpu.vector_store_idx %arg9[%get3A_18], %broadcast_in_dim3A_7 : memref<100016xi32, #tpu.memory_space<vmem>>[vector<16xi32>], vector<16xi32>,
      tpu.vector_store_idx %arg9[%get3A_21], %broadcast_in_dim3A_7 : memref<100016xi32, #tpu.memory_space<vmem>>[vector<16xi32>], vector<16xi32>,
      tpu.vector_store_idx %arg9[%get3A_24], %broadcast_in_dim3A_7 : memref<100016xi32, #tpu.memory_space<vmem>>[vector<16xi32>], vector<16xi32>,
      tpu.vector_store_idx %arg9[%get3A_27], %broadcast_in_dim3A_7 : memref<100016xi32, #tpu.memory_space<vmem>>[vector<16xi32>], vector<16xi32>,
      tpu.vector_store_idx %arg9[%get3A_30], %broadcast_in_dim3A_7 : memref<100016xi32, #tpu.memory_space<vmem>>[vector<16xi32>], vector<16xi32>,
      tpu.vector_store_idx %arg9[%get3A_33], %broadcast_in_dim3A_7 : memref<100016xi32, #tpu.memory_space<vmem>>[vector<16xi32>], vector<16xi32>,
      tpu.vector_store_idx %arg9[%get3A_36], %broadcast_in_dim3A_7 : memref<100016xi32, #tpu.memory_space<vmem>>[vector<16xi32>], vector<16xi32>,
      tpu.vector_store_idx %arg9[%get3A_39], %broadcast_in_dim3A_7 : memref<100016xi32, #tpu.memory_space<vmem>>[vector<16xi32>], vector<16xi32>,
      tpu.vector_store_idx %arg9[%get3A_42], %broadcast_in_dim3A_7 : memref<100016xi32, #tpu.memory_space<vmem>>[vector<16xi32>], vector<16xi32>,
      tpu.vector_store_idx %arg9[%get3A_45], %broadcast_in_dim3A_7 : memref<100016xi32, #tpu.memory_space<vmem>>[vector<16xi32>], vector<16xi32>,
      tpu.vector_store_idx %arg9[%get3A_48], %broadcast_in_dim3A_7 : memref<100016xi32, #tpu.memory_space<vmem>>[vector<16xi32>], vector<16xi32>,
      tpu.vector_store_idx %arg9[%get3A_51], %broadcast_in_dim3A_7 : memref<100016xi32, #tpu.memory_space<vmem>>[vector<16xi32>], vector<16xi32>,
      tpu.vector_store_idx %arg9[%get3A_54], %broadcast_in_dim3A_7 : memref<100016xi32, #tpu.memory_space<vmem>>[vector<16xi32>], vector<16xi32>,
      tpu.vector_store_idx %arg9[%get3A_57], %broadcast_in_dim3A_7 : memref<100016xi32, #tpu.memory_space<vmem>>[vector<16xi32>], vector<16xi32>,
      tpu.vector_store_idx %arg9[%get3A_60], %broadcast_in_dim3A_7 : memref<100016xi32, #tpu.memory_space<vmem>>[vector<16xi32>], vector<16xi32>,
      tpu.vector_store_idx %arg9[%get3A_63], %broadcast_in_dim3A_7 : memref<100016xi32, #tpu.memory_space<vmem>>[vector<16xi32>], vector<16xi32>,
      tpu.vector_store_idx %arg9[%get3A_66], %broadcast_in_dim3A_7 : memref<100016xi32, #tpu.memory_space<vmem>>[vector<16xi32>], vector<16xi32>,
      tpu.vector_store_idx %arg9[%get3A_69], %broadcast_in_dim3A_7 : memref<100016xi32, #tpu.memory_space<vmem>>[vector<16xi32>], vector<16xi32>,
      tpu.vector_store_idx %arg9[%get3A_72], %broadcast_in_dim3A_7 : memref<100016xi32, #tpu.memory_space<vmem>>[vector<16xi32>], vector<16xi32>,
      tpu.vector_store_idx %arg9[%get3A_75], %broadcast_in_dim3A_7 : memref<100016xi32, #tpu.memory_space<vmem>>[vector<16xi32>], vector<16xi32>,
      tpu.vector_store_idx %arg9[%get3A_78], %broadcast_in_dim3A_7 : memref<100016xi32, #tpu.memory_space<vmem>>[vector<16xi32>], vector<16xi32>,
      tpu.vector_store_idx %arg9[%get3A_81], %broadcast_in_dim3A_7 : memref<100016xi32, #tpu.memory_space<vmem>>[vector<16xi32>], vector<16xi32>,
      tpu.vector_store_idx %arg9[%get3A_84], %broadcast_in_dim3A_7 : memref<100016xi32, #tpu.memory_space<vmem>>[vector<16xi32>], vector<16xi32>,
      tpu.vector_store_idx %arg9[%get3A_87], %broadcast_in_dim3A_7 : memref<100016xi32, #tpu.memory_space<vmem>>[vector<16xi32>], vector<16xi32>,
      tpu.vector_store_idx %arg9[%get3A_90], %broadcast_in_dim3A_7 : memref<100016xi32, #tpu.memory_space<vmem>>[vector<16xi32>], vector<16xi32>,
    }
    %scan3A_12 = arith.constant 32 : i32
    "tpu.region"() ({
      %run_scoped3A = tpu.sem_alloc : memref<!tpu.dma_semaphore, #tpu.memory_space<semaphore_mem>>
      %dma_start3A = arith.constant 0 : i32
      %dma_start3A_13 = tpu.memref_slice %arg5[%mul3A_2, %dma_start3A] : memref<1024x208xi32, #tpu.memory_space<hbm>> -> memref<32x208xi32, #tpu.memory_space<hbm>>
      %dma_start3A_14 = arith.constant 0 : i32
      %dma_start3A_15 = tpu.memref_slice %arg5[%mul3A_2, %dma_start3A_14] : memref<1024x208xi32, #tpu.memory_space<hbm>> -> memref<32x208xi32, #tpu.memory_space<hbm>>
      tpu.enqueue_dma source(%arg7 : memref<32x208xi32, #tpu.memory_space<vmem>>) target(%dma_start3A_15 : memref<32x208xi32, #tpu.memory_space<hbm>>) target_semaphore(%run_scoped3A : memref<!tpu.dma_semaphore, #tpu.memory_space<semaphore_mem>>)
      %dma_wait3A = arith.constant 0 : i32
      %dma_wait3A_16 = tpu.memref_slice %arg5[%mul3A_2, %dma_wait3A] : memref<1024x208xi32, #tpu.memory_space<hbm>> -> memref<32x208xi32, #tpu.memory_space<hbm>>
      %dma_wait3A_17 = arith.constant 0 : i32
      %dma_wait3A_18 = tpu.memref_slice %arg5[%mul3A_2, %dma_wait3A_17] : memref<1024x208xi32, #tpu.memory_space<hbm>> -> memref<32x208xi32, #tpu.memory_space<hbm>>
      tpu.wait_dma2 semaphore(%run_scoped3A : memref<!tpu.dma_semaphore, #tpu.memory_space<semaphore_mem>>) src(%arg7 : memref<32x208xi32, #tpu.memory_space<vmem>>) dst(%dma_wait3A_18 : memref<32x208xi32, #tpu.memory_space<hbm>>)
      tpu.yield
    }) : () -> ()
    "tpu.region"() ({
      %run_scoped3A = tpu.sem_alloc : memref<!tpu.dma_semaphore, #tpu.memory_space<semaphore_mem>>
      %dma_start3A = arith.constant 0 : i32
      %dma_start3A_13 = tpu.memref_slice %arg6[%mul3A_2, %dma_start3A] : memref<1024x208xi32, #tpu.memory_space<hbm>> -> memref<32x208xi32, #tpu.memory_space<hbm>>
      %dma_start3A_14 = arith.constant 0 : i32
      %dma_start3A_15 = tpu.memref_slice %arg6[%mul3A_2, %dma_start3A_14] : memref<1024x208xi32, #tpu.memory_space<hbm>> -> memref<32x208xi32, #tpu.memory_space<hbm>>
      tpu.enqueue_dma source(%arg8 : memref<32x208xi32, #tpu.memory_space<vmem>>) target(%dma_start3A_15 : memref<32x208xi32, #tpu.memory_space<hbm>>) target_semaphore(%run_scoped3A : memref<!tpu.dma_semaphore, #tpu.memory_space<semaphore_mem>>)
      %dma_wait3A = arith.constant 0 : i32
      %dma_wait3A_16 = tpu.memref_slice %arg6[%mul3A_2, %dma_wait3A] : memref<1024x208xi32, #tpu.memory_space<hbm>> -> memref<32x208xi32, #tpu.memory_space<hbm>>
      %dma_wait3A_17 = arith.constant 0 : i32
      %dma_wait3A_18 = tpu.memref_slice %arg6[%mul3A_2, %dma_wait3A_17] : memref<1024x208xi32, #tpu.memory_space<hbm>> -> memref<32x208xi32, #tpu.memory_space<hbm>>
      tpu.wait_dma2 semaphore(%run_scoped3A : memref<!tpu.dma_semaphore, #tpu.memory_space<semaphore_mem>>) src(%arg8 : memref<32x208xi32, #tpu.memory_space<vmem>>) dst(%dma_wait3A_18 : memref<32x208xi32, #tpu.memory_space<hbm>>)
      tpu.yield
    }) : () -> ()
    return
  }
}

module attributes {stable_mosaic.version = 14 : i64} {
  func.func @_mlp_kernel(%arg0: i32, %arg1: memref<256x208xi32, #tpu.memory_space<vmem>>, %arg2: memref<256x208xi32, #tpu.memory_space<vmem>>, %arg3: memref<200x3200xbf16, #tpu.memory_space<vmem>>, %arg4: memref<1x3200xf32, #tpu.memory_space<vmem>>, %arg5: memref<1x3200xf32, #tpu.memory_space<vmem>>, %arg6: memref<128x128xf32, #tpu.memory_space<vmem>>, %arg7: memref<1x3200xf32, #tpu.memory_space<vmem>>, %arg8: memref<256x3200xf32, #tpu.memory_space<vmem>>, %arg9: memref<256x3200xf32, #tpu.memory_space<vmem>>) attributes {dimension_semantics = [#tpu.dimension_semantics<arbitrary>], iteration_bounds = array<i64: 4>, scalar_prefetch = 0 : i64, scratch_operands = 0 : i64, tpu.core_type = #tpu.core_type<tc>, window_params = [{transform_indices = @transform_0, window_bounds = array<i64: 256, 208>}, {transform_indices = @transform_1, window_bounds = array<i64: 256, 208>}, {pipeline_mode = #tpu.pipeline_mode<synchronous>, transform_indices = @transform_2, window_bounds = array<i64: 200, 3200>}, {pipeline_mode = #tpu.pipeline_mode<synchronous>, transform_indices = @transform_3, window_bounds = array<i64: 1, 3200>}, {pipeline_mode = #tpu.pipeline_mode<synchronous>, transform_indices = @transform_4, window_bounds = array<i64: 1, 3200>}, {pipeline_mode = #tpu.pipeline_mode<synchronous>, transform_indices = @transform_5, window_bounds = array<i64: 128, 128>}, {pipeline_mode = #tpu.pipeline_mode<synchronous>, transform_indices = @transform_6, window_bounds = array<i64: 1, 3200>}, {transform_indices = @transform_7, window_bounds = array<i64: 256, 3200>}, {transform_indices = @transform_8, window_bounds = array<i64: 256, 3200>}]} {
    %get3A = arith.constant 0 : index
    %get3A_0 = arith.constant 0 : index
    %get3A_1 = vector.load %arg3[%get3A, %get3A_0] : memref<200x3200xbf16, #tpu.memory_space<vmem>>, vector<200x3200xbf16>
    %get3A_2 = arith.constant 0 : index
    %get3A_3 = arith.constant 0 : index
    %get3A_4 = vector.load %arg4[%get3A_2, %get3A_3] : memref<1x3200xf32, #tpu.memory_space<vmem>>, vector<1x3200xf32>
    %get3A_5 = arith.constant 0 : index
    %get3A_6 = arith.constant 0 : index
    %get3A_7 = vector.load %arg5[%get3A_5, %get3A_6] : memref<1x3200xf32, #tpu.memory_space<vmem>>, vector<1x3200xf32>
    %get3A_8 = arith.constant 0 : index
    %get3A_9 = arith.constant 0 : index
    %get3A_10 = vector.load %arg7[%get3A_8, %get3A_9] : memref<1x3200xf32, #tpu.memory_space<vmem>>, vector<1x3200xf32>
    %get3A_11 = arith.constant 0 : index
    %get3A_12 = arith.constant 0 : index
    %get3A_13 = vector.load %arg6[%get3A_11, %get3A_12] : memref<128x128xf32, #tpu.memory_space<vmem>>, vector<128x128xf32>
    %get3A_14 = arith.constant 0 : index
    %get3A_15 = arith.constant 0 : index
    %get3A_16 = vector.load %arg1[%get3A_14, %get3A_15] : memref<256x208xi32, #tpu.memory_space<vmem>>, vector<256x208xi32>
    %slice3A = vector.extract_strided_slice %get3A_16 {offsets = [0, 0], sizes = [256, 200], strides = [1, 1]} : vector<256x208xi32> to vector<256x200xi32>
    %and3A = arith.constant 65535 : i32
    %and3A_17 = vector.broadcast %and3A : i32 to vector<256x200xi32>
    %and3A_18 = arith.andi %slice3A, %and3A_17 : vector<256x200xi32>
    %convert_element_type3A = arith.sitofp %and3A_18 : vector<256x200xi32> to vector<256x200xf32>
    %convert_element_type3A_19 = arith.truncf %convert_element_type3A : vector<256x200xf32> to vector<256x200xbf16>
    %shift_right_arithmetic3A = arith.constant 16 : i32
    %shift_right_arithmetic3A_20 = vector.broadcast %shift_right_arithmetic3A : i32 to vector<256x200xi32>
    %shift_right_arithmetic3A_21 = arith.shrsi %slice3A, %shift_right_arithmetic3A_20 : vector<256x200xi32>
    %convert_element_type3A_22 = arith.sitofp %shift_right_arithmetic3A_21 : vector<256x200xi32> to vector<256x200xf32>
    %convert_element_type3A_23 = arith.truncf %convert_element_type3A_22 : vector<256x200xf32> to vector<256x200xbf16>
    %dot_general3A = arith.constant dense<0.000000e+00> : vector<256x3200xf32>
    %dot_general3A_24 = tpu.matmul %convert_element_type3A_19, %get3A_1, %dot_general3A {dimension_numbers = #tpu.dot_dimension_numbers<[1], [0], [0], [1], [0, 0, 1, 1], [], []>, transpose_lhs_hint = false} : vector<256x200xbf16>, vector<200x3200xbf16>, vector<256x3200xf32> -> vector<256x3200xf32>
    %dot_general3A_25 = arith.constant dense<0.000000e+00> : vector<256x3200xf32>
    %dot_general3A_26 = tpu.matmul %convert_element_type3A_23, %get3A_1, %dot_general3A_25 {dimension_numbers = #tpu.dot_dimension_numbers<[1], [0], [0], [1], [0, 0, 1, 1], [], []>, transpose_lhs_hint = false} : vector<256x200xbf16>, vector<200x3200xbf16>, vector<256x3200xf32> -> vector<256x3200xf32>
    %mul3A = vector.broadcast %get3A_4 : vector<1x3200xf32> to vector<256x3200xf32>
    %mul3A_27 = arith.mulf %dot_general3A_24, %mul3A : vector<256x3200xf32>
    %add3A = vector.broadcast %get3A_7 : vector<1x3200xf32> to vector<256x3200xf32>
    %add3A_28 = arith.addf %mul3A_27, %add3A : vector<256x3200xf32>
    %max3A = arith.constant 0.000000e+00 : f32
    %max3A_29 = vector.broadcast %max3A : f32 to vector<256x3200xf32>
    %max3A_30 = arith.maximumf %add3A_28, %max3A_29 : vector<256x3200xf32>
    %mul3A_31 = vector.broadcast %get3A_4 : vector<1x3200xf32> to vector<256x3200xf32>
    %mul3A_32 = arith.mulf %dot_general3A_26, %mul3A_31 : vector<256x3200xf32>
    %add3A_33 = vector.broadcast %get3A_7 : vector<1x3200xf32> to vector<256x3200xf32>
    %add3A_34 = arith.addf %mul3A_32, %add3A_33 : vector<256x3200xf32>
    %max3A_35 = arith.constant 0.000000e+00 : f32
    %max3A_36 = vector.broadcast %max3A_35 : f32 to vector<256x3200xf32>
    %max3A_37 = arith.maximumf %add3A_34, %max3A_36 : vector<256x3200xf32>
    %add3A_38 = arith.addf %max3A_30, %max3A_37 : vector<256x3200xf32>
    %slice3A_39 = vector.extract_strided_slice %add3A_38 {offsets = [0, 0], sizes = [256, 128], strides = [1, 1]} : vector<256x3200xf32> to vector<256x128xf32>
    %dot_general3A_40 = arith.constant dense<0.000000e+00> : vector<256x128xf32>
    %dot_general3A_41 = tpu.matmul %slice3A_39, %get3A_13, %dot_general3A_40 {dimension_numbers = #tpu.dot_dimension_numbers<[1], [0], [0], [1], [0, 0, 1, 1], [], []>, transpose_lhs_hint = false} : vector<256x128xf32>, vector<128x128xf32>, vector<256x128xf32> -> vector<256x128xf32>
    %slice3A_42 = vector.extract_strided_slice %get3A_10 {offsets = [0, 0], sizes = [1, 128], strides = [1, 1]} : vector<1x3200xf32> to vector<1x128xf32>
    %add3A_43 = vector.broadcast %slice3A_42 : vector<1x128xf32> to vector<256x128xf32>
    %add3A_44 = arith.addf %dot_general3A_41, %add3A_43 : vector<256x128xf32>
    %swap3A = arith.constant 0 : index
    %swap3A_45 = arith.constant 0 : index
    %swap3A_46 = vector.load %arg8[%swap3A, %swap3A_45] : memref<256x3200xf32, #tpu.memory_space<vmem>>, vector<256x128xf32>
    tpu.vector_store %arg8[%swap3A, %swap3A_45], %add3A_44 {strides = array<i32>} : memref<256x3200xf32, #tpu.memory_space<vmem>>, vector<256x128xf32>,
    %slice3A_47 = vector.extract_strided_slice %add3A_38 {offsets = [0, 128], sizes = [256, 128], strides = [1, 1]} : vector<256x3200xf32> to vector<256x128xf32>
    %dot_general3A_48 = arith.constant dense<0.000000e+00> : vector<256x128xf32>
    %dot_general3A_49 = tpu.matmul %slice3A_47, %get3A_13, %dot_general3A_48 {dimension_numbers = #tpu.dot_dimension_numbers<[1], [0], [0], [1], [0, 0, 1, 1], [], []>, transpose_lhs_hint = false} : vector<256x128xf32>, vector<128x128xf32>, vector<256x128xf32> -> vector<256x128xf32>
    %slice3A_50 = vector.extract_strided_slice %get3A_10 {offsets = [0, 128], sizes = [1, 128], strides = [1, 1]} : vector<1x3200xf32> to vector<1x128xf32>
    %add3A_51 = vector.broadcast %slice3A_50 : vector<1x128xf32> to vector<256x128xf32>
    %add3A_52 = arith.addf %dot_general3A_49, %add3A_51 : vector<256x128xf32>
    %swap3A_53 = arith.constant 0 : index
    %swap3A_54 = arith.constant 128 : index
    %swap3A_55 = vector.load %arg8[%swap3A_53, %swap3A_54] : memref<256x3200xf32, #tpu.memory_space<vmem>>, vector<256x128xf32>
    tpu.vector_store %arg8[%swap3A_53, %swap3A_54], %add3A_52 {strides = array<i32>} : memref<256x3200xf32, #tpu.memory_space<vmem>>, vector<256x128xf32>,
    %slice3A_56 = vector.extract_strided_slice %add3A_38 {offsets = [0, 256], sizes = [256, 128], strides = [1, 1]} : vector<256x3200xf32> to vector<256x128xf32>
    %dot_general3A_57 = arith.constant dense<0.000000e+00> : vector<256x128xf32>
    %dot_general3A_58 = tpu.matmul %slice3A_56, %get3A_13, %dot_general3A_57 {dimension_numbers = #tpu.dot_dimension_numbers<[1], [0], [0], [1], [0, 0, 1, 1], [], []>, transpose_lhs_hint = false} : vector<256x128xf32>, vector<128x128xf32>, vector<256x128xf32> -> vector<256x128xf32>
    %slice3A_59 = vector.extract_strided_slice %get3A_10 {offsets = [0, 256], sizes = [1, 128], strides = [1, 1]} : vector<1x3200xf32> to vector<1x128xf32>
    %add3A_60 = vector.broadcast %slice3A_59 : vector<1x128xf32> to vector<256x128xf32>
    %add3A_61 = arith.addf %dot_general3A_58, %add3A_60 : vector<256x128xf32>
    %swap3A_62 = arith.constant 0 : index
    %swap3A_63 = arith.constant 256 : index
    %swap3A_64 = vector.load %arg8[%swap3A_62, %swap3A_63] : memref<256x3200xf32, #tpu.memory_space<vmem>>, vector<256x128xf32>
    tpu.vector_store %arg8[%swap3A_62, %swap3A_63], %add3A_61 {strides = array<i32>} : memref<256x3200xf32, #tpu.memory_space<vmem>>, vector<256x128xf32>,
    %slice3A_65 = vector.extract_strided_slice %add3A_38 {offsets = [0, 384], sizes = [256, 128], strides = [1, 1]} : vector<256x3200xf32> to vector<256x128xf32>
    %dot_general3A_66 = arith.constant dense<0.000000e+00> : vector<256x128xf32>
    %dot_general3A_67 = tpu.matmul %slice3A_65, %get3A_13, %dot_general3A_66 {dimension_numbers = #tpu.dot_dimension_numbers<[1], [0], [0], [1], [0, 0, 1, 1], [], []>, transpose_lhs_hint = false} : vector<256x128xf32>, vector<128x128xf32>, vector<256x128xf32> -> vector<256x128xf32>
    %slice3A_68 = vector.extract_strided_slice %get3A_10 {offsets = [0, 384], sizes = [1, 128], strides = [1, 1]} : vector<1x3200xf32> to vector<1x128xf32>
    %add3A_69 = vector.broadcast %slice3A_68 : vector<1x128xf32> to vector<256x128xf32>
    %add3A_70 = arith.addf %dot_general3A_67, %add3A_69 : vector<256x128xf32>
    %swap3A_71 = arith.constant 0 : index
    %swap3A_72 = arith.constant 384 : index
    %swap3A_73 = vector.load %arg8[%swap3A_71, %swap3A_72] : memref<256x3200xf32, #tpu.memory_space<vmem>>, vector<256x128xf32>
    tpu.vector_store %arg8[%swap3A_71, %swap3A_72], %add3A_70 {strides = array<i32>} : memref<256x3200xf32, #tpu.memory_space<vmem>>, vector<256x128xf32>,
    %slice3A_74 = vector.extract_strided_slice %add3A_38 {offsets = [0, 512], sizes = [256, 128], strides = [1, 1]} : vector<256x3200xf32> to vector<256x128xf32>
    %dot_general3A_75 = arith.constant dense<0.000000e+00> : vector<256x128xf32>
    %dot_general3A_76 = tpu.matmul %slice3A_74, %get3A_13, %dot_general3A_75 {dimension_numbers = #tpu.dot_dimension_numbers<[1], [0], [0], [1], [0, 0, 1, 1], [], []>, transpose_lhs_hint = false} : vector<256x128xf32>, vector<128x128xf32>, vector<256x128xf32> -> vector<256x128xf32>
    %slice3A_77 = vector.extract_strided_slice %get3A_10 {offsets = [0, 512], sizes = [1, 128], strides = [1, 1]} : vector<1x3200xf32> to vector<1x128xf32>
    %add3A_78 = vector.broadcast %slice3A_77 : vector<1x128xf32> to vector<256x128xf32>
    %add3A_79 = arith.addf %dot_general3A_76, %add3A_78 : vector<256x128xf32>
    %swap3A_80 = arith.constant 0 : index
    %swap3A_81 = arith.constant 512 : index
    %swap3A_82 = vector.load %arg8[%swap3A_80, %swap3A_81] : memref<256x3200xf32, #tpu.memory_space<vmem>>, vector<256x128xf32>
    tpu.vector_store %arg8[%swap3A_80, %swap3A_81], %add3A_79 {strides = array<i32>} : memref<256x3200xf32, #tpu.memory_space<vmem>>, vector<256x128xf32>,
    %slice3A_83 = vector.extract_strided_slice %add3A_38 {offsets = [0, 640], sizes = [256, 128], strides = [1, 1]} : vector<256x3200xf32> to vector<256x128xf32>
    %dot_general3A_84 = arith.constant dense<0.000000e+00> : vector<256x128xf32>
    %dot_general3A_85 = tpu.matmul %slice3A_83, %get3A_13, %dot_general3A_84 {dimension_numbers = #tpu.dot_dimension_numbers<[1], [0], [0], [1], [0, 0, 1, 1], [], []>, transpose_lhs_hint = false} : vector<256x128xf32>, vector<128x128xf32>, vector<256x128xf32> -> vector<256x128xf32>
    %slice3A_86 = vector.extract_strided_slice %get3A_10 {offsets = [0, 640], sizes = [1, 128], strides = [1, 1]} : vector<1x3200xf32> to vector<1x128xf32>
    %add3A_87 = vector.broadcast %slice3A_86 : vector<1x128xf32> to vector<256x128xf32>
    %add3A_88 = arith.addf %dot_general3A_85, %add3A_87 : vector<256x128xf32>
    %swap3A_89 = arith.constant 0 : index
    %swap3A_90 = arith.constant 640 : index
    %swap3A_91 = vector.load %arg8[%swap3A_89, %swap3A_90] : memref<256x3200xf32, #tpu.memory_space<vmem>>, vector<256x128xf32>
    tpu.vector_store %arg8[%swap3A_89, %swap3A_90], %add3A_88 {strides = array<i32>} : memref<256x3200xf32, #tpu.memory_space<vmem>>, vector<256x128xf32>,
    %slice3A_92 = vector.extract_strided_slice %add3A_38 {offsets = [0, 768], sizes = [256, 128], strides = [1, 1]} : vector<256x3200xf32> to vector<256x128xf32>
    %dot_general3A_93 = arith.constant dense<0.000000e+00> : vector<256x128xf32>
    %dot_general3A_94 = tpu.matmul %slice3A_92, %get3A_13, %dot_general3A_93 {dimension_numbers = #tpu.dot_dimension_numbers<[1], [0], [0], [1], [0, 0, 1, 1], [], []>, transpose_lhs_hint = false} : vector<256x128xf32>, vector<128x128xf32>, vector<256x128xf32> -> vector<256x128xf32>
    %slice3A_95 = vector.extract_strided_slice %get3A_10 {offsets = [0, 768], sizes = [1, 128], strides = [1, 1]} : vector<1x3200xf32> to vector<1x128xf32>
    %add3A_96 = vector.broadcast %slice3A_95 : vector<1x128xf32> to vector<256x128xf32>
    %add3A_97 = arith.addf %dot_general3A_94, %add3A_96 : vector<256x128xf32>
    %swap3A_98 = arith.constant 0 : index
    %swap3A_99 = arith.constant 768 : index
    %swap3A_100 = vector.load %arg8[%swap3A_98, %swap3A_99] : memref<256x3200xf32, #tpu.memory_space<vmem>>, vector<256x128xf32>
    tpu.vector_store %arg8[%swap3A_98, %swap3A_99], %add3A_97 {strides = array<i32>} : memref<256x3200xf32, #tpu.memory_space<vmem>>, vector<256x128xf32>,
    %slice3A_101 = vector.extract_strided_slice %add3A_38 {offsets = [0, 896], sizes = [256, 128], strides = [1, 1]} : vector<256x3200xf32> to vector<256x128xf32>
    %dot_general3A_102 = arith.constant dense<0.000000e+00> : vector<256x128xf32>
    %dot_general3A_103 = tpu.matmul %slice3A_101, %get3A_13, %dot_general3A_102 {dimension_numbers = #tpu.dot_dimension_numbers<[1], [0], [0], [1], [0, 0, 1, 1], [], []>, transpose_lhs_hint = false} : vector<256x128xf32>, vector<128x128xf32>, vector<256x128xf32> -> vector<256x128xf32>
    %slice3A_104 = vector.extract_strided_slice %get3A_10 {offsets = [0, 896], sizes = [1, 128], strides = [1, 1]} : vector<1x3200xf32> to vector<1x128xf32>
    %add3A_105 = vector.broadcast %slice3A_104 : vector<1x128xf32> to vector<256x128xf32>
    %add3A_106 = arith.addf %dot_general3A_103, %add3A_105 : vector<256x128xf32>
    %swap3A_107 = arith.constant 0 : index
    %swap3A_108 = arith.constant 896 : index
    %swap3A_109 = vector.load %arg8[%swap3A_107, %swap3A_108] : memref<256x3200xf32, #tpu.memory_space<vmem>>, vector<256x128xf32>
    tpu.vector_store %arg8[%swap3A_107, %swap3A_108], %add3A_106 {strides = array<i32>} : memref<256x3200xf32, #tpu.memory_space<vmem>>, vector<256x128xf32>,
    %slice3A_110 = vector.extract_strided_slice %add3A_38 {offsets = [0, 1024], sizes = [256, 128], strides = [1, 1]} : vector<256x3200xf32> to vector<256x128xf32>
    %dot_general3A_111 = arith.constant dense<0.000000e+00> : vector<256x128xf32>
    %dot_general3A_112 = tpu.matmul %slice3A_110, %get3A_13, %dot_general3A_111 {dimension_numbers = #tpu.dot_dimension_numbers<[1], [0], [0], [1], [0, 0, 1, 1], [], []>, transpose_lhs_hint = false} : vector<256x128xf32>, vector<128x128xf32>, vector<256x128xf32> -> vector<256x128xf32>
    %slice3A_113 = vector.extract_strided_slice %get3A_10 {offsets = [0, 1024], sizes = [1, 128], strides = [1, 1]} : vector<1x3200xf32> to vector<1x128xf32>
    %add3A_114 = vector.broadcast %slice3A_113 : vector<1x128xf32> to vector<256x128xf32>
    %add3A_115 = arith.addf %dot_general3A_112, %add3A_114 : vector<256x128xf32>
    %swap3A_116 = arith.constant 0 : index
    %swap3A_117 = arith.constant 1024 : index
    %swap3A_118 = vector.load %arg8[%swap3A_116, %swap3A_117] : memref<256x3200xf32, #tpu.memory_space<vmem>>, vector<256x128xf32>
    tpu.vector_store %arg8[%swap3A_116, %swap3A_117], %add3A_115 {strides = array<i32>} : memref<256x3200xf32, #tpu.memory_space<vmem>>, vector<256x128xf32>,
    %slice3A_119 = vector.extract_strided_slice %add3A_38 {offsets = [0, 1152], sizes = [256, 128], strides = [1, 1]} : vector<256x3200xf32> to vector<256x128xf32>
    %dot_general3A_120 = arith.constant dense<0.000000e+00> : vector<256x128xf32>
    %dot_general3A_121 = tpu.matmul %slice3A_119, %get3A_13, %dot_general3A_120 {dimension_numbers = #tpu.dot_dimension_numbers<[1], [0], [0], [1], [0, 0, 1, 1], [], []>, transpose_lhs_hint = false} : vector<256x128xf32>, vector<128x128xf32>, vector<256x128xf32> -> vector<256x128xf32>
    %slice3A_122 = vector.extract_strided_slice %get3A_10 {offsets = [0, 1152], sizes = [1, 128], strides = [1, 1]} : vector<1x3200xf32> to vector<1x128xf32>
    %add3A_123 = vector.broadcast %slice3A_122 : vector<1x128xf32> to vector<256x128xf32>
    %add3A_124 = arith.addf %dot_general3A_121, %add3A_123 : vector<256x128xf32>
    %swap3A_125 = arith.constant 0 : index
    %swap3A_126 = arith.constant 1152 : index
    %swap3A_127 = vector.load %arg8[%swap3A_125, %swap3A_126] : memref<256x3200xf32, #tpu.memory_space<vmem>>, vector<256x128xf32>
    tpu.vector_store %arg8[%swap3A_125, %swap3A_126], %add3A_124 {strides = array<i32>} : memref<256x3200xf32, #tpu.memory_space<vmem>>, vector<256x128xf32>,
    %slice3A_128 = vector.extract_strided_slice %add3A_38 {offsets = [0, 1280], sizes = [256, 128], strides = [1, 1]} : vector<256x3200xf32> to vector<256x128xf32>
    %dot_general3A_129 = arith.constant dense<0.000000e+00> : vector<256x128xf32>
    %dot_general3A_130 = tpu.matmul %slice3A_128, %get3A_13, %dot_general3A_129 {dimension_numbers = #tpu.dot_dimension_numbers<[1], [0], [0], [1], [0, 0, 1, 1], [], []>, transpose_lhs_hint = false} : vector<256x128xf32>, vector<128x128xf32>, vector<256x128xf32> -> vector<256x128xf32>
    %slice3A_131 = vector.extract_strided_slice %get3A_10 {offsets = [0, 1280], sizes = [1, 128], strides = [1, 1]} : vector<1x3200xf32> to vector<1x128xf32>
    %add3A_132 = vector.broadcast %slice3A_131 : vector<1x128xf32> to vector<256x128xf32>
    %add3A_133 = arith.addf %dot_general3A_130, %add3A_132 : vector<256x128xf32>
    %swap3A_134 = arith.constant 0 : index
    %swap3A_135 = arith.constant 1280 : index
    %swap3A_136 = vector.load %arg8[%swap3A_134, %swap3A_135] : memref<256x3200xf32, #tpu.memory_space<vmem>>, vector<256x128xf32>
    tpu.vector_store %arg8[%swap3A_134, %swap3A_135], %add3A_133 {strides = array<i32>} : memref<256x3200xf32, #tpu.memory_space<vmem>>, vector<256x128xf32>,
    %slice3A_137 = vector.extract_strided_slice %add3A_38 {offsets = [0, 1408], sizes = [256, 128], strides = [1, 1]} : vector<256x3200xf32> to vector<256x128xf32>
    %dot_general3A_138 = arith.constant dense<0.000000e+00> : vector<256x128xf32>
    %dot_general3A_139 = tpu.matmul %slice3A_137, %get3A_13, %dot_general3A_138 {dimension_numbers = #tpu.dot_dimension_numbers<[1], [0], [0], [1], [0, 0, 1, 1], [], []>, transpose_lhs_hint = false} : vector<256x128xf32>, vector<128x128xf32>, vector<256x128xf32> -> vector<256x128xf32>
    %slice3A_140 = vector.extract_strided_slice %get3A_10 {offsets = [0, 1408], sizes = [1, 128], strides = [1, 1]} : vector<1x3200xf32> to vector<1x128xf32>
    %add3A_141 = vector.broadcast %slice3A_140 : vector<1x128xf32> to vector<256x128xf32>
    %add3A_142 = arith.addf %dot_general3A_139, %add3A_141 : vector<256x128xf32>
    %swap3A_143 = arith.constant 0 : index
    %swap3A_144 = arith.constant 1408 : index
    %swap3A_145 = vector.load %arg8[%swap3A_143, %swap3A_144] : memref<256x3200xf32, #tpu.memory_space<vmem>>, vector<256x128xf32>
    tpu.vector_store %arg8[%swap3A_143, %swap3A_144], %add3A_142 {strides = array<i32>} : memref<256x3200xf32, #tpu.memory_space<vmem>>, vector<256x128xf32>,
    %slice3A_146 = vector.extract_strided_slice %add3A_38 {offsets = [0, 1536], sizes = [256, 128], strides = [1, 1]} : vector<256x3200xf32> to vector<256x128xf32>
    %dot_general3A_147 = arith.constant dense<0.000000e+00> : vector<256x128xf32>
    %dot_general3A_148 = tpu.matmul %slice3A_146, %get3A_13, %dot_general3A_147 {dimension_numbers = #tpu.dot_dimension_numbers<[1], [0], [0], [1], [0, 0, 1, 1], [], []>, transpose_lhs_hint = false} : vector<256x128xf32>, vector<128x128xf32>, vector<256x128xf32> -> vector<256x128xf32>
    %slice3A_149 = vector.extract_strided_slice %get3A_10 {offsets = [0, 1536], sizes = [1, 128], strides = [1, 1]} : vector<1x3200xf32> to vector<1x128xf32>
    %add3A_150 = vector.broadcast %slice3A_149 : vector<1x128xf32> to vector<256x128xf32>
    %add3A_151 = arith.addf %dot_general3A_148, %add3A_150 : vector<256x128xf32>
    %swap3A_152 = arith.constant 0 : index
    %swap3A_153 = arith.constant 1536 : index
    %swap3A_154 = vector.load %arg8[%swap3A_152, %swap3A_153] : memref<256x3200xf32, #tpu.memory_space<vmem>>, vector<256x128xf32>
    tpu.vector_store %arg8[%swap3A_152, %swap3A_153], %add3A_151 {strides = array<i32>} : memref<256x3200xf32, #tpu.memory_space<vmem>>, vector<256x128xf32>,
    %slice3A_155 = vector.extract_strided_slice %add3A_38 {offsets = [0, 1664], sizes = [256, 128], strides = [1, 1]} : vector<256x3200xf32> to vector<256x128xf32>
    %dot_general3A_156 = arith.constant dense<0.000000e+00> : vector<256x128xf32>
    %dot_general3A_157 = tpu.matmul %slice3A_155, %get3A_13, %dot_general3A_156 {dimension_numbers = #tpu.dot_dimension_numbers<[1], [0], [0], [1], [0, 0, 1, 1], [], []>, transpose_lhs_hint = false} : vector<256x128xf32>, vector<128x128xf32>, vector<256x128xf32> -> vector<256x128xf32>
    %slice3A_158 = vector.extract_strided_slice %get3A_10 {offsets = [0, 1664], sizes = [1, 128], strides = [1, 1]} : vector<1x3200xf32> to vector<1x128xf32>
    %add3A_159 = vector.broadcast %slice3A_158 : vector<1x128xf32> to vector<256x128xf32>
    %add3A_160 = arith.addf %dot_general3A_157, %add3A_159 : vector<256x128xf32>
    %swap3A_161 = arith.constant 0 : index
    %swap3A_162 = arith.constant 1664 : index
    %swap3A_163 = vector.load %arg8[%swap3A_161, %swap3A_162] : memref<256x3200xf32, #tpu.memory_space<vmem>>, vector<256x128xf32>
    tpu.vector_store %arg8[%swap3A_161, %swap3A_162], %add3A_160 {strides = array<i32>} : memref<256x3200xf32, #tpu.memory_space<vmem>>, vector<256x128xf32>,
    %slice3A_164 = vector.extract_strided_slice %add3A_38 {offsets = [0, 1792], sizes = [256, 128], strides = [1, 1]} : vector<256x3200xf32> to vector<256x128xf32>
    %dot_general3A_165 = arith.constant dense<0.000000e+00> : vector<256x128xf32>
    %dot_general3A_166 = tpu.matmul %slice3A_164, %get3A_13, %dot_general3A_165 {dimension_numbers = #tpu.dot_dimension_numbers<[1], [0], [0], [1], [0, 0, 1, 1], [], []>, transpose_lhs_hint = false} : vector<256x128xf32>, vector<128x128xf32>, vector<256x128xf32> -> vector<256x128xf32>
    %slice3A_167 = vector.extract_strided_slice %get3A_10 {offsets = [0, 1792], sizes = [1, 128], strides = [1, 1]} : vector<1x3200xf32> to vector<1x128xf32>
    %add3A_168 = vector.broadcast %slice3A_167 : vector<1x128xf32> to vector<256x128xf32>
    %add3A_169 = arith.addf %dot_general3A_166, %add3A_168 : vector<256x128xf32>
    %swap3A_170 = arith.constant 0 : index
    %swap3A_171 = arith.constant 1792 : index
    %swap3A_172 = vector.load %arg8[%swap3A_170, %swap3A_171] : memref<256x3200xf32, #tpu.memory_space<vmem>>, vector<256x128xf32>
    tpu.vector_store %arg8[%swap3A_170, %swap3A_171], %add3A_169 {strides = array<i32>} : memref<256x3200xf32, #tpu.memory_space<vmem>>, vector<256x128xf32>,
    %slice3A_173 = vector.extract_strided_slice %add3A_38 {offsets = [0, 1920], sizes = [256, 128], strides = [1, 1]} : vector<256x3200xf32> to vector<256x128xf32>
    %dot_general3A_174 = arith.constant dense<0.000000e+00> : vector<256x128xf32>
    %dot_general3A_175 = tpu.matmul %slice3A_173, %get3A_13, %dot_general3A_174 {dimension_numbers = #tpu.dot_dimension_numbers<[1], [0], [0], [1], [0, 0, 1, 1], [], []>, transpose_lhs_hint = false} : vector<256x128xf32>, vector<128x128xf32>, vector<256x128xf32> -> vector<256x128xf32>
    %slice3A_176 = vector.extract_strided_slice %get3A_10 {offsets = [0, 1920], sizes = [1, 128], strides = [1, 1]} : vector<1x3200xf32> to vector<1x128xf32>
    %add3A_177 = vector.broadcast %slice3A_176 : vector<1x128xf32> to vector<256x128xf32>
    %add3A_178 = arith.addf %dot_general3A_175, %add3A_177 : vector<256x128xf32>
    %swap3A_179 = arith.constant 0 : index
    %swap3A_180 = arith.constant 1920 : index
    %swap3A_181 = vector.load %arg8[%swap3A_179, %swap3A_180] : memref<256x3200xf32, #tpu.memory_space<vmem>>, vector<256x128xf32>
    tpu.vector_store %arg8[%swap3A_179, %swap3A_180], %add3A_178 {strides = array<i32>} : memref<256x3200xf32, #tpu.memory_space<vmem>>, vector<256x128xf32>,
    %slice3A_182 = vector.extract_strided_slice %add3A_38 {offsets = [0, 2048], sizes = [256, 128], strides = [1, 1]} : vector<256x3200xf32> to vector<256x128xf32>
    %dot_general3A_183 = arith.constant dense<0.000000e+00> : vector<256x128xf32>
    %dot_general3A_184 = tpu.matmul %slice3A_182, %get3A_13, %dot_general3A_183 {dimension_numbers = #tpu.dot_dimension_numbers<[1], [0], [0], [1], [0, 0, 1, 1], [], []>, transpose_lhs_hint = false} : vector<256x128xf32>, vector<128x128xf32>, vector<256x128xf32> -> vector<256x128xf32>
    %slice3A_185 = vector.extract_strided_slice %get3A_10 {offsets = [0, 2048], sizes = [1, 128], strides = [1, 1]} : vector<1x3200xf32> to vector<1x128xf32>
    %add3A_186 = vector.broadcast %slice3A_185 : vector<1x128xf32> to vector<256x128xf32>
    %add3A_187 = arith.addf %dot_general3A_184, %add3A_186 : vector<256x128xf32>
    %swap3A_188 = arith.constant 0 : index
    %swap3A_189 = arith.constant 2048 : index
    %swap3A_190 = vector.load %arg8[%swap3A_188, %swap3A_189] : memref<256x3200xf32, #tpu.memory_space<vmem>>, vector<256x128xf32>
    tpu.vector_store %arg8[%swap3A_188, %swap3A_189], %add3A_187 {strides = array<i32>} : memref<256x3200xf32, #tpu.memory_space<vmem>>, vector<256x128xf32>,
    %slice3A_191 = vector.extract_strided_slice %add3A_38 {offsets = [0, 2176], sizes = [256, 128], strides = [1, 1]} : vector<256x3200xf32> to vector<256x128xf32>
    %dot_general3A_192 = arith.constant dense<0.000000e+00> : vector<256x128xf32>
    %dot_general3A_193 = tpu.matmul %slice3A_191, %get3A_13, %dot_general3A_192 {dimension_numbers = #tpu.dot_dimension_numbers<[1], [0], [0], [1], [0, 0, 1, 1], [], []>, transpose_lhs_hint = false} : vector<256x128xf32>, vector<128x128xf32>, vector<256x128xf32> -> vector<256x128xf32>
    %slice3A_194 = vector.extract_strided_slice %get3A_10 {offsets = [0, 2176], sizes = [1, 128], strides = [1, 1]} : vector<1x3200xf32> to vector<1x128xf32>
    %add3A_195 = vector.broadcast %slice3A_194 : vector<1x128xf32> to vector<256x128xf32>
    %add3A_196 = arith.addf %dot_general3A_193, %add3A_195 : vector<256x128xf32>
    %swap3A_197 = arith.constant 0 : index
    %swap3A_198 = arith.constant 2176 : index
    %swap3A_199 = vector.load %arg8[%swap3A_197, %swap3A_198] : memref<256x3200xf32, #tpu.memory_space<vmem>>, vector<256x128xf32>
    tpu.vector_store %arg8[%swap3A_197, %swap3A_198], %add3A_196 {strides = array<i32>} : memref<256x3200xf32, #tpu.memory_space<vmem>>, vector<256x128xf32>,
    %slice3A_200 = vector.extract_strided_slice %add3A_38 {offsets = [0, 2304], sizes = [256, 128], strides = [1, 1]} : vector<256x3200xf32> to vector<256x128xf32>
    %dot_general3A_201 = arith.constant dense<0.000000e+00> : vector<256x128xf32>
    %dot_general3A_202 = tpu.matmul %slice3A_200, %get3A_13, %dot_general3A_201 {dimension_numbers = #tpu.dot_dimension_numbers<[1], [0], [0], [1], [0, 0, 1, 1], [], []>, transpose_lhs_hint = false} : vector<256x128xf32>, vector<128x128xf32>, vector<256x128xf32> -> vector<256x128xf32>
    %slice3A_203 = vector.extract_strided_slice %get3A_10 {offsets = [0, 2304], sizes = [1, 128], strides = [1, 1]} : vector<1x3200xf32> to vector<1x128xf32>
    %add3A_204 = vector.broadcast %slice3A_203 : vector<1x128xf32> to vector<256x128xf32>
    %add3A_205 = arith.addf %dot_general3A_202, %add3A_204 : vector<256x128xf32>
    %swap3A_206 = arith.constant 0 : index
    %swap3A_207 = arith.constant 2304 : index
    %swap3A_208 = vector.load %arg8[%swap3A_206, %swap3A_207] : memref<256x3200xf32, #tpu.memory_space<vmem>>, vector<256x128xf32>
    tpu.vector_store %arg8[%swap3A_206, %swap3A_207], %add3A_205 {strides = array<i32>} : memref<256x3200xf32, #tpu.memory_space<vmem>>, vector<256x128xf32>,
    %slice3A_209 = vector.extract_strided_slice %add3A_38 {offsets = [0, 2432], sizes = [256, 128], strides = [1, 1]} : vector<256x3200xf32> to vector<256x128xf32>
    %dot_general3A_210 = arith.constant dense<0.000000e+00> : vector<256x128xf32>
    %dot_general3A_211 = tpu.matmul %slice3A_209, %get3A_13, %dot_general3A_210 {dimension_numbers = #tpu.dot_dimension_numbers<[1], [0], [0], [1], [0, 0, 1, 1], [], []>, transpose_lhs_hint = false} : vector<256x128xf32>, vector<128x128xf32>, vector<256x128xf32> -> vector<256x128xf32>
    %slice3A_212 = vector.extract_strided_slice %get3A_10 {offsets = [0, 2432], sizes = [1, 128], strides = [1, 1]} : vector<1x3200xf32> to vector<1x128xf32>
    %add3A_213 = vector.broadcast %slice3A_212 : vector<1x128xf32> to vector<256x128xf32>
    %add3A_214 = arith.addf %dot_general3A_211, %add3A_213 : vector<256x128xf32>
    %swap3A_215 = arith.constant 0 : index
    %swap3A_216 = arith.constant 2432 : index
    %swap3A_217 = vector.load %arg8[%swap3A_215, %swap3A_216] : memref<256x3200xf32, #tpu.memory_space<vmem>>, vector<256x128xf32>
    tpu.vector_store %arg8[%swap3A_215, %swap3A_216], %add3A_214 {strides = array<i32>} : memref<256x3200xf32, #tpu.memory_space<vmem>>, vector<256x128xf32>,
    %slice3A_218 = vector.extract_strided_slice %add3A_38 {offsets = [0, 2560], sizes = [256, 128], strides = [1, 1]} : vector<256x3200xf32> to vector<256x128xf32>
    %dot_general3A_219 = arith.constant dense<0.000000e+00> : vector<256x128xf32>
    %dot_general3A_220 = tpu.matmul %slice3A_218, %get3A_13, %dot_general3A_219 {dimension_numbers = #tpu.dot_dimension_numbers<[1], [0], [0], [1], [0, 0, 1, 1], [], []>, transpose_lhs_hint = false} : vector<256x128xf32>, vector<128x128xf32>, vector<256x128xf32> -> vector<256x128xf32>
    %slice3A_221 = vector.extract_strided_slice %get3A_10 {offsets = [0, 2560], sizes = [1, 128], strides = [1, 1]} : vector<1x3200xf32> to vector<1x128xf32>
    %add3A_222 = vector.broadcast %slice3A_221 : vector<1x128xf32> to vector<256x128xf32>
    %add3A_223 = arith.addf %dot_general3A_220, %add3A_222 : vector<256x128xf32>
    %swap3A_224 = arith.constant 0 : index
    %swap3A_225 = arith.constant 2560 : index
    %swap3A_226 = vector.load %arg8[%swap3A_224, %swap3A_225] : memref<256x3200xf32, #tpu.memory_space<vmem>>, vector<256x128xf32>
    tpu.vector_store %arg8[%swap3A_224, %swap3A_225], %add3A_223 {strides = array<i32>} : memref<256x3200xf32, #tpu.memory_space<vmem>>, vector<256x128xf32>,
    %slice3A_227 = vector.extract_strided_slice %add3A_38 {offsets = [0, 2688], sizes = [256, 128], strides = [1, 1]} : vector<256x3200xf32> to vector<256x128xf32>
    %dot_general3A_228 = arith.constant dense<0.000000e+00> : vector<256x128xf32>
    %dot_general3A_229 = tpu.matmul %slice3A_227, %get3A_13, %dot_general3A_228 {dimension_numbers = #tpu.dot_dimension_numbers<[1], [0], [0], [1], [0, 0, 1, 1], [], []>, transpose_lhs_hint = false} : vector<256x128xf32>, vector<128x128xf32>, vector<256x128xf32> -> vector<256x128xf32>
    %slice3A_230 = vector.extract_strided_slice %get3A_10 {offsets = [0, 2688], sizes = [1, 128], strides = [1, 1]} : vector<1x3200xf32> to vector<1x128xf32>
    %add3A_231 = vector.broadcast %slice3A_230 : vector<1x128xf32> to vector<256x128xf32>
    %add3A_232 = arith.addf %dot_general3A_229, %add3A_231 : vector<256x128xf32>
    %swap3A_233 = arith.constant 0 : index
    %swap3A_234 = arith.constant 2688 : index
    %swap3A_235 = vector.load %arg8[%swap3A_233, %swap3A_234] : memref<256x3200xf32, #tpu.memory_space<vmem>>, vector<256x128xf32>
    tpu.vector_store %arg8[%swap3A_233, %swap3A_234], %add3A_232 {strides = array<i32>} : memref<256x3200xf32, #tpu.memory_space<vmem>>, vector<256x128xf32>,
    %slice3A_236 = vector.extract_strided_slice %add3A_38 {offsets = [0, 2816], sizes = [256, 128], strides = [1, 1]} : vector<256x3200xf32> to vector<256x128xf32>
    %dot_general3A_237 = arith.constant dense<0.000000e+00> : vector<256x128xf32>
    %dot_general3A_238 = tpu.matmul %slice3A_236, %get3A_13, %dot_general3A_237 {dimension_numbers = #tpu.dot_dimension_numbers<[1], [0], [0], [1], [0, 0, 1, 1], [], []>, transpose_lhs_hint = false} : vector<256x128xf32>, vector<128x128xf32>, vector<256x128xf32> -> vector<256x128xf32>
    %slice3A_239 = vector.extract_strided_slice %get3A_10 {offsets = [0, 2816], sizes = [1, 128], strides = [1, 1]} : vector<1x3200xf32> to vector<1x128xf32>
    %add3A_240 = vector.broadcast %slice3A_239 : vector<1x128xf32> to vector<256x128xf32>
    %add3A_241 = arith.addf %dot_general3A_238, %add3A_240 : vector<256x128xf32>
    %swap3A_242 = arith.constant 0 : index
    %swap3A_243 = arith.constant 2816 : index
    %swap3A_244 = vector.load %arg8[%swap3A_242, %swap3A_243] : memref<256x3200xf32, #tpu.memory_space<vmem>>, vector<256x128xf32>
    tpu.vector_store %arg8[%swap3A_242, %swap3A_243], %add3A_241 {strides = array<i32>} : memref<256x3200xf32, #tpu.memory_space<vmem>>, vector<256x128xf32>,
    %slice3A_245 = vector.extract_strided_slice %add3A_38 {offsets = [0, 2944], sizes = [256, 128], strides = [1, 1]} : vector<256x3200xf32> to vector<256x128xf32>
    %dot_general3A_246 = arith.constant dense<0.000000e+00> : vector<256x128xf32>
    %dot_general3A_247 = tpu.matmul %slice3A_245, %get3A_13, %dot_general3A_246 {dimension_numbers = #tpu.dot_dimension_numbers<[1], [0], [0], [1], [0, 0, 1, 1], [], []>, transpose_lhs_hint = false} : vector<256x128xf32>, vector<128x128xf32>, vector<256x128xf32> -> vector<256x128xf32>
    %slice3A_248 = vector.extract_strided_slice %get3A_10 {offsets = [0, 2944], sizes = [1, 128], strides = [1, 1]} : vector<1x3200xf32> to vector<1x128xf32>
    %add3A_249 = vector.broadcast %slice3A_248 : vector<1x128xf32> to vector<256x128xf32>
    %add3A_250 = arith.addf %dot_general3A_247, %add3A_249 : vector<256x128xf32>
    %swap3A_251 = arith.constant 0 : index
    %swap3A_252 = arith.constant 2944 : index
    %swap3A_253 = vector.load %arg8[%swap3A_251, %swap3A_252] : memref<256x3200xf32, #tpu.memory_space<vmem>>, vector<256x128xf32>
    tpu.vector_store %arg8[%swap3A_251, %swap3A_252], %add3A_250 {strides = array<i32>} : memref<256x3200xf32, #tpu.memory_space<vmem>>, vector<256x128xf32>,
    %slice3A_254 = vector.extract_strided_slice %add3A_38 {offsets = [0, 3072], sizes = [256, 128], strides = [1, 1]} : vector<256x3200xf32> to vector<256x128xf32>
    %dot_general3A_255 = arith.constant dense<0.000000e+00> : vector<256x128xf32>
    %dot_general3A_256 = tpu.matmul %slice3A_254, %get3A_13, %dot_general3A_255 {dimension_numbers = #tpu.dot_dimension_numbers<[1], [0], [0], [1], [0, 0, 1, 1], [], []>, transpose_lhs_hint = false} : vector<256x128xf32>, vector<128x128xf32>, vector<256x128xf32> -> vector<256x128xf32>
    %slice3A_257 = vector.extract_strided_slice %get3A_10 {offsets = [0, 3072], sizes = [1, 128], strides = [1, 1]} : vector<1x3200xf32> to vector<1x128xf32>
    %add3A_258 = vector.broadcast %slice3A_257 : vector<1x128xf32> to vector<256x128xf32>
    %add3A_259 = arith.addf %dot_general3A_256, %add3A_258 : vector<256x128xf32>
    %swap3A_260 = arith.constant 0 : index
    %swap3A_261 = arith.constant 3072 : index
    %swap3A_262 = vector.load %arg8[%swap3A_260, %swap3A_261] : memref<256x3200xf32, #tpu.memory_space<vmem>>, vector<256x128xf32>
    tpu.vector_store %arg8[%swap3A_260, %swap3A_261], %add3A_259 {strides = array<i32>} : memref<256x3200xf32, #tpu.memory_space<vmem>>, vector<256x128xf32>,
    %get3A_263 = arith.constant 0 : index
    %get3A_264 = arith.constant 0 : index
    %get3A_265 = vector.load %arg2[%get3A_263, %get3A_264] : memref<256x208xi32, #tpu.memory_space<vmem>>, vector<256x208xi32>
    %slice3A_266 = vector.extract_strided_slice %get3A_265 {offsets = [0, 0], sizes = [256, 200], strides = [1, 1]} : vector<256x208xi32> to vector<256x200xi32>
    %and3A_267 = arith.constant 65535 : i32
    %and3A_268 = vector.broadcast %and3A_267 : i32 to vector<256x200xi32>
    %and3A_269 = arith.andi %slice3A_266, %and3A_268 : vector<256x200xi32>
    %convert_element_type3A_270 = arith.sitofp %and3A_269 : vector<256x200xi32> to vector<256x200xf32>
    %convert_element_type3A_271 = arith.truncf %convert_element_type3A_270 : vector<256x200xf32> to vector<256x200xbf16>
    %shift_right_arithmetic3A_272 = arith.constant 16 : i32
    %shift_right_arithmetic3A_273 = vector.broadcast %shift_right_arithmetic3A_272 : i32 to vector<256x200xi32>
    %shift_right_arithmetic3A_274 = arith.shrsi %slice3A_266, %shift_right_arithmetic3A_273 : vector<256x200xi32>
    %convert_element_type3A_275 = arith.sitofp %shift_right_arithmetic3A_274 : vector<256x200xi32> to vector<256x200xf32>
    %convert_element_type3A_276 = arith.truncf %convert_element_type3A_275 : vector<256x200xf32> to vector<256x200xbf16>
    %dot_general3A_277 = arith.constant dense<0.000000e+00> : vector<256x3200xf32>
    %dot_general3A_278 = tpu.matmul %convert_element_type3A_271, %get3A_1, %dot_general3A_277 {dimension_numbers = #tpu.dot_dimension_numbers<[1], [0], [0], [1], [0, 0, 1, 1], [], []>, transpose_lhs_hint = false} : vector<256x200xbf16>, vector<200x3200xbf16>, vector<256x3200xf32> -> vector<256x3200xf32>
    %dot_general3A_279 = arith.constant dense<0.000000e+00> : vector<256x3200xf32>
    %dot_general3A_280 = tpu.matmul %convert_element_type3A_276, %get3A_1, %dot_general3A_279 {dimension_numbers = #tpu.dot_dimension_numbers<[1], [0], [0], [1], [0, 0, 1, 1], [], []>, transpose_lhs_hint = false} : vector<256x200xbf16>, vector<200x3200xbf16>, vector<256x3200xf32> -> vector<256x3200xf32>
    %mul3A_281 = vector.broadcast %get3A_4 : vector<1x3200xf32> to vector<256x3200xf32>
    %mul3A_282 = arith.mulf %dot_general3A_278, %mul3A_281 : vector<256x3200xf32>
    %add3A_283 = vector.broadcast %get3A_7 : vector<1x3200xf32> to vector<256x3200xf32>
    %add3A_284 = arith.addf %mul3A_282, %add3A_283 : vector<256x3200xf32>
    %max3A_285 = arith.constant 0.000000e+00 : f32
    %max3A_286 = vector.broadcast %max3A_285 : f32 to vector<256x3200xf32>
    %max3A_287 = arith.maximumf %add3A_284, %max3A_286 : vector<256x3200xf32>
    %mul3A_288 = vector.broadcast %get3A_4 : vector<1x3200xf32> to vector<256x3200xf32>
    %mul3A_289 = arith.mulf %dot_general3A_280, %mul3A_288 : vector<256x3200xf32>
    %add3A_290 = vector.broadcast %get3A_7 : vector<1x3200xf32> to vector<256x3200xf32>
    %add3A_291 = arith.addf %mul3A_289, %add3A_290 : vector<256x3200xf32>
    %max3A_292 = arith.constant 0.000000e+00 : f32
    %max3A_293 = vector.broadcast %max3A_292 : f32 to vector<256x3200xf32>
    %max3A_294 = arith.maximumf %add3A_291, %max3A_293 : vector<256x3200xf32>
    %add3A_295 = arith.addf %max3A_287, %max3A_294 : vector<256x3200xf32>
    %slice3A_296 = vector.extract_strided_slice %add3A_295 {offsets = [0, 0], sizes = [256, 128], strides = [1, 1]} : vector<256x3200xf32> to vector<256x128xf32>
    %dot_general3A_297 = arith.constant dense<0.000000e+00> : vector<256x128xf32>
    %dot_general3A_298 = tpu.matmul %slice3A_296, %get3A_13, %dot_general3A_297 {dimension_numbers = #tpu.dot_dimension_numbers<[1], [0], [0], [1], [0, 0, 1, 1], [], []>, transpose_lhs_hint = false} : vector<256x128xf32>, vector<128x128xf32>, vector<256x128xf32> -> vector<256x128xf32>
    %slice3A_299 = vector.extract_strided_slice %get3A_10 {offsets = [0, 0], sizes = [1, 128], strides = [1, 1]} : vector<1x3200xf32> to vector<1x128xf32>
    %add3A_300 = vector.broadcast %slice3A_299 : vector<1x128xf32> to vector<256x128xf32>
    %add3A_301 = arith.addf %dot_general3A_298, %add3A_300 : vector<256x128xf32>
    %swap3A_302 = arith.constant 0 : index
    %swap3A_303 = arith.constant 0 : index
    %swap3A_304 = vector.load %arg9[%swap3A_302, %swap3A_303] : memref<256x3200xf32, #tpu.memory_space<vmem>>, vector<256x128xf32>
    tpu.vector_store %arg9[%swap3A_302, %swap3A_303], %add3A_301 {strides = array<i32>} : memref<256x3200xf32, #tpu.memory_space<vmem>>, vector<256x128xf32>,
    %slice3A_305 = vector.extract_strided_slice %add3A_295 {offsets = [0, 128], sizes = [256, 128], strides = [1, 1]} : vector<256x3200xf32> to vector<256x128xf32>
    %dot_general3A_306 = arith.constant dense<0.000000e+00> : vector<256x128xf32>
    %dot_general3A_307 = tpu.matmul %slice3A_305, %get3A_13, %dot_general3A_306 {dimension_numbers = #tpu.dot_dimension_numbers<[1], [0], [0], [1], [0, 0, 1, 1], [], []>, transpose_lhs_hint = false} : vector<256x128xf32>, vector<128x128xf32>, vector<256x128xf32> -> vector<256x128xf32>
    %slice3A_308 = vector.extract_strided_slice %get3A_10 {offsets = [0, 128], sizes = [1, 128], strides = [1, 1]} : vector<1x3200xf32> to vector<1x128xf32>
    %add3A_309 = vector.broadcast %slice3A_308 : vector<1x128xf32> to vector<256x128xf32>
    %add3A_310 = arith.addf %dot_general3A_307, %add3A_309 : vector<256x128xf32>
    %swap3A_311 = arith.constant 0 : index
    %swap3A_312 = arith.constant 128 : index
    %swap3A_313 = vector.load %arg9[%swap3A_311, %swap3A_312] : memref<256x3200xf32, #tpu.memory_space<vmem>>, vector<256x128xf32>
    tpu.vector_store %arg9[%swap3A_311, %swap3A_312], %add3A_310 {strides = array<i32>} : memref<256x3200xf32, #tpu.memory_space<vmem>>, vector<256x128xf32>,
    %slice3A_314 = vector.extract_strided_slice %add3A_295 {offsets = [0, 256], sizes = [256, 128], strides = [1, 1]} : vector<256x3200xf32> to vector<256x128xf32>
    %dot_general3A_315 = arith.constant dense<0.000000e+00> : vector<256x128xf32>
    %dot_general3A_316 = tpu.matmul %slice3A_314, %get3A_13, %dot_general3A_315 {dimension_numbers = #tpu.dot_dimension_numbers<[1], [0], [0], [1], [0, 0, 1, 1], [], []>, transpose_lhs_hint = false} : vector<256x128xf32>, vector<128x128xf32>, vector<256x128xf32> -> vector<256x128xf32>
    %slice3A_317 = vector.extract_strided_slice %get3A_10 {offsets = [0, 256], sizes = [1, 128], strides = [1, 1]} : vector<1x3200xf32> to vector<1x128xf32>
    %add3A_318 = vector.broadcast %slice3A_317 : vector<1x128xf32> to vector<256x128xf32>
    %add3A_319 = arith.addf %dot_general3A_316, %add3A_318 : vector<256x128xf32>
    %swap3A_320 = arith.constant 0 : index
    %swap3A_321 = arith.constant 256 : index
    %swap3A_322 = vector.load %arg9[%swap3A_320, %swap3A_321] : memref<256x3200xf32, #tpu.memory_space<vmem>>, vector<256x128xf32>
    tpu.vector_store %arg9[%swap3A_320, %swap3A_321], %add3A_319 {strides = array<i32>} : memref<256x3200xf32, #tpu.memory_space<vmem>>, vector<256x128xf32>,
    %slice3A_323 = vector.extract_strided_slice %add3A_295 {offsets = [0, 384], sizes = [256, 128], strides = [1, 1]} : vector<256x3200xf32> to vector<256x128xf32>
    %dot_general3A_324 = arith.constant dense<0.000000e+00> : vector<256x128xf32>
    %dot_general3A_325 = tpu.matmul %slice3A_323, %get3A_13, %dot_general3A_324 {dimension_numbers = #tpu.dot_dimension_numbers<[1], [0], [0], [1], [0, 0, 1, 1], [], []>, transpose_lhs_hint = false} : vector<256x128xf32>, vector<128x128xf32>, vector<256x128xf32> -> vector<256x128xf32>
    %slice3A_326 = vector.extract_strided_slice %get3A_10 {offsets = [0, 384], sizes = [1, 128], strides = [1, 1]} : vector<1x3200xf32> to vector<1x128xf32>
    %add3A_327 = vector.broadcast %slice3A_326 : vector<1x128xf32> to vector<256x128xf32>
    %add3A_328 = arith.addf %dot_general3A_325, %add3A_327 : vector<256x128xf32>
    %swap3A_329 = arith.constant 0 : index
    %swap3A_330 = arith.constant 384 : index
    %swap3A_331 = vector.load %arg9[%swap3A_329, %swap3A_330] : memref<256x3200xf32, #tpu.memory_space<vmem>>, vector<256x128xf32>
    tpu.vector_store %arg9[%swap3A_329, %swap3A_330], %add3A_328 {strides = array<i32>} : memref<256x3200xf32, #tpu.memory_space<vmem>>, vector<256x128xf32>,
    %slice3A_332 = vector.extract_strided_slice %add3A_295 {offsets = [0, 512], sizes = [256, 128], strides = [1, 1]} : vector<256x3200xf32> to vector<256x128xf32>
    %dot_general3A_333 = arith.constant dense<0.000000e+00> : vector<256x128xf32>
    %dot_general3A_334 = tpu.matmul %slice3A_332, %get3A_13, %dot_general3A_333 {dimension_numbers = #tpu.dot_dimension_numbers<[1], [0], [0], [1], [0, 0, 1, 1], [], []>, transpose_lhs_hint = false} : vector<256x128xf32>, vector<128x128xf32>, vector<256x128xf32> -> vector<256x128xf32>
    %slice3A_335 = vector.extract_strided_slice %get3A_10 {offsets = [0, 512], sizes = [1, 128], strides = [1, 1]} : vector<1x3200xf32> to vector<1x128xf32>
    %add3A_336 = vector.broadcast %slice3A_335 : vector<1x128xf32> to vector<256x128xf32>
    %add3A_337 = arith.addf %dot_general3A_334, %add3A_336 : vector<256x128xf32>
    %swap3A_338 = arith.constant 0 : index
    %swap3A_339 = arith.constant 512 : index
    %swap3A_340 = vector.load %arg9[%swap3A_338, %swap3A_339] : memref<256x3200xf32, #tpu.memory_space<vmem>>, vector<256x128xf32>
    tpu.vector_store %arg9[%swap3A_338, %swap3A_339], %add3A_337 {strides = array<i32>} : memref<256x3200xf32, #tpu.memory_space<vmem>>, vector<256x128xf32>,
    %slice3A_341 = vector.extract_strided_slice %add3A_295 {offsets = [0, 640], sizes = [256, 128], strides = [1, 1]} : vector<256x3200xf32> to vector<256x128xf32>
    %dot_general3A_342 = arith.constant dense<0.000000e+00> : vector<256x128xf32>
    %dot_general3A_343 = tpu.matmul %slice3A_341, %get3A_13, %dot_general3A_342 {dimension_numbers = #tpu.dot_dimension_numbers<[1], [0], [0], [1], [0, 0, 1, 1], [], []>, transpose_lhs_hint = false} : vector<256x128xf32>, vector<128x128xf32>, vector<256x128xf32> -> vector<256x128xf32>
    %slice3A_344 = vector.extract_strided_slice %get3A_10 {offsets = [0, 640], sizes = [1, 128], strides = [1, 1]} : vector<1x3200xf32> to vector<1x128xf32>
    %add3A_345 = vector.broadcast %slice3A_344 : vector<1x128xf32> to vector<256x128xf32>
    %add3A_346 = arith.addf %dot_general3A_343, %add3A_345 : vector<256x128xf32>
    %swap3A_347 = arith.constant 0 : index
    %swap3A_348 = arith.constant 640 : index
    %swap3A_349 = vector.load %arg9[%swap3A_347, %swap3A_348] : memref<256x3200xf32, #tpu.memory_space<vmem>>, vector<256x128xf32>
    tpu.vector_store %arg9[%swap3A_347, %swap3A_348], %add3A_346 {strides = array<i32>} : memref<256x3200xf32, #tpu.memory_space<vmem>>, vector<256x128xf32>,
    %slice3A_350 = vector.extract_strided_slice %add3A_295 {offsets = [0, 768], sizes = [256, 128], strides = [1, 1]} : vector<256x3200xf32> to vector<256x128xf32>
    %dot_general3A_351 = arith.constant dense<0.000000e+00> : vector<256x128xf32>
    %dot_general3A_352 = tpu.matmul %slice3A_350, %get3A_13, %dot_general3A_351 {dimension_numbers = #tpu.dot_dimension_numbers<[1], [0], [0], [1], [0, 0, 1, 1], [], []>, transpose_lhs_hint = false} : vector<256x128xf32>, vector<128x128xf32>, vector<256x128xf32> -> vector<256x128xf32>
    %slice3A_353 = vector.extract_strided_slice %get3A_10 {offsets = [0, 768], sizes = [1, 128], strides = [1, 1]} : vector<1x3200xf32> to vector<1x128xf32>
    %add3A_354 = vector.broadcast %slice3A_353 : vector<1x128xf32> to vector<256x128xf32>
    %add3A_355 = arith.addf %dot_general3A_352, %add3A_354 : vector<256x128xf32>
    %swap3A_356 = arith.constant 0 : index
    %swap3A_357 = arith.constant 768 : index
    %swap3A_358 = vector.load %arg9[%swap3A_356, %swap3A_357] : memref<256x3200xf32, #tpu.memory_space<vmem>>, vector<256x128xf32>
    tpu.vector_store %arg9[%swap3A_356, %swap3A_357], %add3A_355 {strides = array<i32>} : memref<256x3200xf32, #tpu.memory_space<vmem>>, vector<256x128xf32>,
    %slice3A_359 = vector.extract_strided_slice %add3A_295 {offsets = [0, 896], sizes = [256, 128], strides = [1, 1]} : vector<256x3200xf32> to vector<256x128xf32>
    %dot_general3A_360 = arith.constant dense<0.000000e+00> : vector<256x128xf32>
    %dot_general3A_361 = tpu.matmul %slice3A_359, %get3A_13, %dot_general3A_360 {dimension_numbers = #tpu.dot_dimension_numbers<[1], [0], [0], [1], [0, 0, 1, 1], [], []>, transpose_lhs_hint = false} : vector<256x128xf32>, vector<128x128xf32>, vector<256x128xf32> -> vector<256x128xf32>
    %slice3A_362 = vector.extract_strided_slice %get3A_10 {offsets = [0, 896], sizes = [1, 128], strides = [1, 1]} : vector<1x3200xf32> to vector<1x128xf32>
    %add3A_363 = vector.broadcast %slice3A_362 : vector<1x128xf32> to vector<256x128xf32>
    %add3A_364 = arith.addf %dot_general3A_361, %add3A_363 : vector<256x128xf32>
    %swap3A_365 = arith.constant 0 : index
    %swap3A_366 = arith.constant 896 : index
    %swap3A_367 = vector.load %arg9[%swap3A_365, %swap3A_366] : memref<256x3200xf32, #tpu.memory_space<vmem>>, vector<256x128xf32>
    tpu.vector_store %arg9[%swap3A_365, %swap3A_366], %add3A_364 {strides = array<i32>} : memref<256x3200xf32, #tpu.memory_space<vmem>>, vector<256x128xf32>,
    %slice3A_368 = vector.extract_strided_slice %add3A_295 {offsets = [0, 1024], sizes = [256, 128], strides = [1, 1]} : vector<256x3200xf32> to vector<256x128xf32>
    %dot_general3A_369 = arith.constant dense<0.000000e+00> : vector<256x128xf32>
    %dot_general3A_370 = tpu.matmul %slice3A_368, %get3A_13, %dot_general3A_369 {dimension_numbers = #tpu.dot_dimension_numbers<[1], [0], [0], [1], [0, 0, 1, 1], [], []>, transpose_lhs_hint = false} : vector<256x128xf32>, vector<128x128xf32>, vector<256x128xf32> -> vector<256x128xf32>
    %slice3A_371 = vector.extract_strided_slice %get3A_10 {offsets = [0, 1024], sizes = [1, 128], strides = [1, 1]} : vector<1x3200xf32> to vector<1x128xf32>
    %add3A_372 = vector.broadcast %slice3A_371 : vector<1x128xf32> to vector<256x128xf32>
    %add3A_373 = arith.addf %dot_general3A_370, %add3A_372 : vector<256x128xf32>
    %swap3A_374 = arith.constant 0 : index
    %swap3A_375 = arith.constant 1024 : index
    %swap3A_376 = vector.load %arg9[%swap3A_374, %swap3A_375] : memref<256x3200xf32, #tpu.memory_space<vmem>>, vector<256x128xf32>
    tpu.vector_store %arg9[%swap3A_374, %swap3A_375], %add3A_373 {strides = array<i32>} : memref<256x3200xf32, #tpu.memory_space<vmem>>, vector<256x128xf32>,
    %slice3A_377 = vector.extract_strided_slice %add3A_295 {offsets = [0, 1152], sizes = [256, 128], strides = [1, 1]} : vector<256x3200xf32> to vector<256x128xf32>
    %dot_general3A_378 = arith.constant dense<0.000000e+00> : vector<256x128xf32>
    %dot_general3A_379 = tpu.matmul %slice3A_377, %get3A_13, %dot_general3A_378 {dimension_numbers = #tpu.dot_dimension_numbers<[1], [0], [0], [1], [0, 0, 1, 1], [], []>, transpose_lhs_hint = false} : vector<256x128xf32>, vector<128x128xf32>, vector<256x128xf32> -> vector<256x128xf32>
    %slice3A_380 = vector.extract_strided_slice %get3A_10 {offsets = [0, 1152], sizes = [1, 128], strides = [1, 1]} : vector<1x3200xf32> to vector<1x128xf32>
    %add3A_381 = vector.broadcast %slice3A_380 : vector<1x128xf32> to vector<256x128xf32>
    %add3A_382 = arith.addf %dot_general3A_379, %add3A_381 : vector<256x128xf32>
    %swap3A_383 = arith.constant 0 : index
    %swap3A_384 = arith.constant 1152 : index
    %swap3A_385 = vector.load %arg9[%swap3A_383, %swap3A_384] : memref<256x3200xf32, #tpu.memory_space<vmem>>, vector<256x128xf32>
    tpu.vector_store %arg9[%swap3A_383, %swap3A_384], %add3A_382 {strides = array<i32>} : memref<256x3200xf32, #tpu.memory_space<vmem>>, vector<256x128xf32>,
    %slice3A_386 = vector.extract_strided_slice %add3A_295 {offsets = [0, 1280], sizes = [256, 128], strides = [1, 1]} : vector<256x3200xf32> to vector<256x128xf32>
    %dot_general3A_387 = arith.constant dense<0.000000e+00> : vector<256x128xf32>
    %dot_general3A_388 = tpu.matmul %slice3A_386, %get3A_13, %dot_general3A_387 {dimension_numbers = #tpu.dot_dimension_numbers<[1], [0], [0], [1], [0, 0, 1, 1], [], []>, transpose_lhs_hint = false} : vector<256x128xf32>, vector<128x128xf32>, vector<256x128xf32> -> vector<256x128xf32>
    %slice3A_389 = vector.extract_strided_slice %get3A_10 {offsets = [0, 1280], sizes = [1, 128], strides = [1, 1]} : vector<1x3200xf32> to vector<1x128xf32>
    %add3A_390 = vector.broadcast %slice3A_389 : vector<1x128xf32> to vector<256x128xf32>
    %add3A_391 = arith.addf %dot_general3A_388, %add3A_390 : vector<256x128xf32>
    %swap3A_392 = arith.constant 0 : index
    %swap3A_393 = arith.constant 1280 : index
    %swap3A_394 = vector.load %arg9[%swap3A_392, %swap3A_393] : memref<256x3200xf32, #tpu.memory_space<vmem>>, vector<256x128xf32>
    tpu.vector_store %arg9[%swap3A_392, %swap3A_393], %add3A_391 {strides = array<i32>} : memref<256x3200xf32, #tpu.memory_space<vmem>>, vector<256x128xf32>,
    %slice3A_395 = vector.extract_strided_slice %add3A_295 {offsets = [0, 1408], sizes = [256, 128], strides = [1, 1]} : vector<256x3200xf32> to vector<256x128xf32>
    %dot_general3A_396 = arith.constant dense<0.000000e+00> : vector<256x128xf32>
    %dot_general3A_397 = tpu.matmul %slice3A_395, %get3A_13, %dot_general3A_396 {dimension_numbers = #tpu.dot_dimension_numbers<[1], [0], [0], [1], [0, 0, 1, 1], [], []>, transpose_lhs_hint = false} : vector<256x128xf32>, vector<128x128xf32>, vector<256x128xf32> -> vector<256x128xf32>
    %slice3A_398 = vector.extract_strided_slice %get3A_10 {offsets = [0, 1408], sizes = [1, 128], strides = [1, 1]} : vector<1x3200xf32> to vector<1x128xf32>
    %add3A_399 = vector.broadcast %slice3A_398 : vector<1x128xf32> to vector<256x128xf32>
    %add3A_400 = arith.addf %dot_general3A_397, %add3A_399 : vector<256x128xf32>
    %swap3A_401 = arith.constant 0 : index
    %swap3A_402 = arith.constant 1408 : index
    %swap3A_403 = vector.load %arg9[%swap3A_401, %swap3A_402] : memref<256x3200xf32, #tpu.memory_space<vmem>>, vector<256x128xf32>
    tpu.vector_store %arg9[%swap3A_401, %swap3A_402], %add3A_400 {strides = array<i32>} : memref<256x3200xf32, #tpu.memory_space<vmem>>, vector<256x128xf32>,
    %slice3A_404 = vector.extract_strided_slice %add3A_295 {offsets = [0, 1536], sizes = [256, 128], strides = [1, 1]} : vector<256x3200xf32> to vector<256x128xf32>
    %dot_general3A_405 = arith.constant dense<0.000000e+00> : vector<256x128xf32>
    %dot_general3A_406 = tpu.matmul %slice3A_404, %get3A_13, %dot_general3A_405 {dimension_numbers = #tpu.dot_dimension_numbers<[1], [0], [0], [1], [0, 0, 1, 1], [], []>, transpose_lhs_hint = false} : vector<256x128xf32>, vector<128x128xf32>, vector<256x128xf32> -> vector<256x128xf32>
    %slice3A_407 = vector.extract_strided_slice %get3A_10 {offsets = [0, 1536], sizes = [1, 128], strides = [1, 1]} : vector<1x3200xf32> to vector<1x128xf32>
    %add3A_408 = vector.broadcast %slice3A_407 : vector<1x128xf32> to vector<256x128xf32>
    %add3A_409 = arith.addf %dot_general3A_406, %add3A_408 : vector<256x128xf32>
    %swap3A_410 = arith.constant 0 : index
    %swap3A_411 = arith.constant 1536 : index
    %swap3A_412 = vector.load %arg9[%swap3A_410, %swap3A_411] : memref<256x3200xf32, #tpu.memory_space<vmem>>, vector<256x128xf32>
    tpu.vector_store %arg9[%swap3A_410, %swap3A_411], %add3A_409 {strides = array<i32>} : memref<256x3200xf32, #tpu.memory_space<vmem>>, vector<256x128xf32>,
    %slice3A_413 = vector.extract_strided_slice %add3A_295 {offsets = [0, 1664], sizes = [256, 128], strides = [1, 1]} : vector<256x3200xf32> to vector<256x128xf32>
    %dot_general3A_414 = arith.constant dense<0.000000e+00> : vector<256x128xf32>
    %dot_general3A_415 = tpu.matmul %slice3A_413, %get3A_13, %dot_general3A_414 {dimension_numbers = #tpu.dot_dimension_numbers<[1], [0], [0], [1], [0, 0, 1, 1], [], []>, transpose_lhs_hint = false} : vector<256x128xf32>, vector<128x128xf32>, vector<256x128xf32> -> vector<256x128xf32>
    %slice3A_416 = vector.extract_strided_slice %get3A_10 {offsets = [0, 1664], sizes = [1, 128], strides = [1, 1]} : vector<1x3200xf32> to vector<1x128xf32>
    %add3A_417 = vector.broadcast %slice3A_416 : vector<1x128xf32> to vector<256x128xf32>
    %add3A_418 = arith.addf %dot_general3A_415, %add3A_417 : vector<256x128xf32>
    %swap3A_419 = arith.constant 0 : index
    %swap3A_420 = arith.constant 1664 : index
    %swap3A_421 = vector.load %arg9[%swap3A_419, %swap3A_420] : memref<256x3200xf32, #tpu.memory_space<vmem>>, vector<256x128xf32>
    tpu.vector_store %arg9[%swap3A_419, %swap3A_420], %add3A_418 {strides = array<i32>} : memref<256x3200xf32, #tpu.memory_space<vmem>>, vector<256x128xf32>,
    %slice3A_422 = vector.extract_strided_slice %add3A_295 {offsets = [0, 1792], sizes = [256, 128], strides = [1, 1]} : vector<256x3200xf32> to vector<256x128xf32>
    %dot_general3A_423 = arith.constant dense<0.000000e+00> : vector<256x128xf32>
    %dot_general3A_424 = tpu.matmul %slice3A_422, %get3A_13, %dot_general3A_423 {dimension_numbers = #tpu.dot_dimension_numbers<[1], [0], [0], [1], [0, 0, 1, 1], [], []>, transpose_lhs_hint = false} : vector<256x128xf32>, vector<128x128xf32>, vector<256x128xf32> -> vector<256x128xf32>
    %slice3A_425 = vector.extract_strided_slice %get3A_10 {offsets = [0, 1792], sizes = [1, 128], strides = [1, 1]} : vector<1x3200xf32> to vector<1x128xf32>
    %add3A_426 = vector.broadcast %slice3A_425 : vector<1x128xf32> to vector<256x128xf32>
    %add3A_427 = arith.addf %dot_general3A_424, %add3A_426 : vector<256x128xf32>
    %swap3A_428 = arith.constant 0 : index
    %swap3A_429 = arith.constant 1792 : index
    %swap3A_430 = vector.load %arg9[%swap3A_428, %swap3A_429] : memref<256x3200xf32, #tpu.memory_space<vmem>>, vector<256x128xf32>
    tpu.vector_store %arg9[%swap3A_428, %swap3A_429], %add3A_427 {strides = array<i32>} : memref<256x3200xf32, #tpu.memory_space<vmem>>, vector<256x128xf32>,
    %slice3A_431 = vector.extract_strided_slice %add3A_295 {offsets = [0, 1920], sizes = [256, 128], strides = [1, 1]} : vector<256x3200xf32> to vector<256x128xf32>
    %dot_general3A_432 = arith.constant dense<0.000000e+00> : vector<256x128xf32>
    %dot_general3A_433 = tpu.matmul %slice3A_431, %get3A_13, %dot_general3A_432 {dimension_numbers = #tpu.dot_dimension_numbers<[1], [0], [0], [1], [0, 0, 1, 1], [], []>, transpose_lhs_hint = false} : vector<256x128xf32>, vector<128x128xf32>, vector<256x128xf32> -> vector<256x128xf32>
    %slice3A_434 = vector.extract_strided_slice %get3A_10 {offsets = [0, 1920], sizes = [1, 128], strides = [1, 1]} : vector<1x3200xf32> to vector<1x128xf32>
    %add3A_435 = vector.broadcast %slice3A_434 : vector<1x128xf32> to vector<256x128xf32>
    %add3A_436 = arith.addf %dot_general3A_433, %add3A_435 : vector<256x128xf32>
    %swap3A_437 = arith.constant 0 : index
    %swap3A_438 = arith.constant 1920 : index
    %swap3A_439 = vector.load %arg9[%swap3A_437, %swap3A_438] : memref<256x3200xf32, #tpu.memory_space<vmem>>, vector<256x128xf32>
    tpu.vector_store %arg9[%swap3A_437, %swap3A_438], %add3A_436 {strides = array<i32>} : memref<256x3200xf32, #tpu.memory_space<vmem>>, vector<256x128xf32>,
    %slice3A_440 = vector.extract_strided_slice %add3A_295 {offsets = [0, 2048], sizes = [256, 128], strides = [1, 1]} : vector<256x3200xf32> to vector<256x128xf32>
    %dot_general3A_441 = arith.constant dense<0.000000e+00> : vector<256x128xf32>
    %dot_general3A_442 = tpu.matmul %slice3A_440, %get3A_13, %dot_general3A_441 {dimension_numbers = #tpu.dot_dimension_numbers<[1], [0], [0], [1], [0, 0, 1, 1], [], []>, transpose_lhs_hint = false} : vector<256x128xf32>, vector<128x128xf32>, vector<256x128xf32> -> vector<256x128xf32>
    %slice3A_443 = vector.extract_strided_slice %get3A_10 {offsets = [0, 2048], sizes = [1, 128], strides = [1, 1]} : vector<1x3200xf32> to vector<1x128xf32>
    %add3A_444 = vector.broadcast %slice3A_443 : vector<1x128xf32> to vector<256x128xf32>
    %add3A_445 = arith.addf %dot_general3A_442, %add3A_444 : vector<256x128xf32>
    %swap3A_446 = arith.constant 0 : index
    %swap3A_447 = arith.constant 2048 : index
    %swap3A_448 = vector.load %arg9[%swap3A_446, %swap3A_447] : memref<256x3200xf32, #tpu.memory_space<vmem>>, vector<256x128xf32>
    tpu.vector_store %arg9[%swap3A_446, %swap3A_447], %add3A_445 {strides = array<i32>} : memref<256x3200xf32, #tpu.memory_space<vmem>>, vector<256x128xf32>,
    %slice3A_449 = vector.extract_strided_slice %add3A_295 {offsets = [0, 2176], sizes = [256, 128], strides = [1, 1]} : vector<256x3200xf32> to vector<256x128xf32>
    %dot_general3A_450 = arith.constant dense<0.000000e+00> : vector<256x128xf32>
    %dot_general3A_451 = tpu.matmul %slice3A_449, %get3A_13, %dot_general3A_450 {dimension_numbers = #tpu.dot_dimension_numbers<[1], [0], [0], [1], [0, 0, 1, 1], [], []>, transpose_lhs_hint = false} : vector<256x128xf32>, vector<128x128xf32>, vector<256x128xf32> -> vector<256x128xf32>
    %slice3A_452 = vector.extract_strided_slice %get3A_10 {offsets = [0, 2176], sizes = [1, 128], strides = [1, 1]} : vector<1x3200xf32> to vector<1x128xf32>
    %add3A_453 = vector.broadcast %slice3A_452 : vector<1x128xf32> to vector<256x128xf32>
    %add3A_454 = arith.addf %dot_general3A_451, %add3A_453 : vector<256x128xf32>
    %swap3A_455 = arith.constant 0 : index
    %swap3A_456 = arith.constant 2176 : index
    %swap3A_457 = vector.load %arg9[%swap3A_455, %swap3A_456] : memref<256x3200xf32, #tpu.memory_space<vmem>>, vector<256x128xf32>
    tpu.vector_store %arg9[%swap3A_455, %swap3A_456], %add3A_454 {strides = array<i32>} : memref<256x3200xf32, #tpu.memory_space<vmem>>, vector<256x128xf32>,
    %slice3A_458 = vector.extract_strided_slice %add3A_295 {offsets = [0, 2304], sizes = [256, 128], strides = [1, 1]} : vector<256x3200xf32> to vector<256x128xf32>
    %dot_general3A_459 = arith.constant dense<0.000000e+00> : vector<256x128xf32>
    %dot_general3A_460 = tpu.matmul %slice3A_458, %get3A_13, %dot_general3A_459 {dimension_numbers = #tpu.dot_dimension_numbers<[1], [0], [0], [1], [0, 0, 1, 1], [], []>, transpose_lhs_hint = false} : vector<256x128xf32>, vector<128x128xf32>, vector<256x128xf32> -> vector<256x128xf32>
    %slice3A_461 = vector.extract_strided_slice %get3A_10 {offsets = [0, 2304], sizes = [1, 128], strides = [1, 1]} : vector<1x3200xf32> to vector<1x128xf32>
    %add3A_462 = vector.broadcast %slice3A_461 : vector<1x128xf32> to vector<256x128xf32>
    %add3A_463 = arith.addf %dot_general3A_460, %add3A_462 : vector<256x128xf32>
    %swap3A_464 = arith.constant 0 : index
    %swap3A_465 = arith.constant 2304 : index
    %swap3A_466 = vector.load %arg9[%swap3A_464, %swap3A_465] : memref<256x3200xf32, #tpu.memory_space<vmem>>, vector<256x128xf32>
    tpu.vector_store %arg9[%swap3A_464, %swap3A_465], %add3A_463 {strides = array<i32>} : memref<256x3200xf32, #tpu.memory_space<vmem>>, vector<256x128xf32>,
    %slice3A_467 = vector.extract_strided_slice %add3A_295 {offsets = [0, 2432], sizes = [256, 128], strides = [1, 1]} : vector<256x3200xf32> to vector<256x128xf32>
    %dot_general3A_468 = arith.constant dense<0.000000e+00> : vector<256x128xf32>
    %dot_general3A_469 = tpu.matmul %slice3A_467, %get3A_13, %dot_general3A_468 {dimension_numbers = #tpu.dot_dimension_numbers<[1], [0], [0], [1], [0, 0, 1, 1], [], []>, transpose_lhs_hint = false} : vector<256x128xf32>, vector<128x128xf32>, vector<256x128xf32> -> vector<256x128xf32>
    %slice3A_470 = vector.extract_strided_slice %get3A_10 {offsets = [0, 2432], sizes = [1, 128], strides = [1, 1]} : vector<1x3200xf32> to vector<1x128xf32>
    %add3A_471 = vector.broadcast %slice3A_470 : vector<1x128xf32> to vector<256x128xf32>
    %add3A_472 = arith.addf %dot_general3A_469, %add3A_471 : vector<256x128xf32>
    %swap3A_473 = arith.constant 0 : index
    %swap3A_474 = arith.constant 2432 : index
    %swap3A_475 = vector.load %arg9[%swap3A_473, %swap3A_474] : memref<256x3200xf32, #tpu.memory_space<vmem>>, vector<256x128xf32>
    tpu.vector_store %arg9[%swap3A_473, %swap3A_474], %add3A_472 {strides = array<i32>} : memref<256x3200xf32, #tpu.memory_space<vmem>>, vector<256x128xf32>,
    %slice3A_476 = vector.extract_strided_slice %add3A_295 {offsets = [0, 2560], sizes = [256, 128], strides = [1, 1]} : vector<256x3200xf32> to vector<256x128xf32>
    %dot_general3A_477 = arith.constant dense<0.000000e+00> : vector<256x128xf32>
    %dot_general3A_478 = tpu.matmul %slice3A_476, %get3A_13, %dot_general3A_477 {dimension_numbers = #tpu.dot_dimension_numbers<[1], [0], [0], [1], [0, 0, 1, 1], [], []>, transpose_lhs_hint = false} : vector<256x128xf32>, vector<128x128xf32>, vector<256x128xf32> -> vector<256x128xf32>
    %slice3A_479 = vector.extract_strided_slice %get3A_10 {offsets = [0, 2560], sizes = [1, 128], strides = [1, 1]} : vector<1x3200xf32> to vector<1x128xf32>
    %add3A_480 = vector.broadcast %slice3A_479 : vector<1x128xf32> to vector<256x128xf32>
    %add3A_481 = arith.addf %dot_general3A_478, %add3A_480 : vector<256x128xf32>
    %swap3A_482 = arith.constant 0 : index
    %swap3A_483 = arith.constant 2560 : index
    %swap3A_484 = vector.load %arg9[%swap3A_482, %swap3A_483] : memref<256x3200xf32, #tpu.memory_space<vmem>>, vector<256x128xf32>
    tpu.vector_store %arg9[%swap3A_482, %swap3A_483], %add3A_481 {strides = array<i32>} : memref<256x3200xf32, #tpu.memory_space<vmem>>, vector<256x128xf32>,
    %slice3A_485 = vector.extract_strided_slice %add3A_295 {offsets = [0, 2688], sizes = [256, 128], strides = [1, 1]} : vector<256x3200xf32> to vector<256x128xf32>
    %dot_general3A_486 = arith.constant dense<0.000000e+00> : vector<256x128xf32>
    %dot_general3A_487 = tpu.matmul %slice3A_485, %get3A_13, %dot_general3A_486 {dimension_numbers = #tpu.dot_dimension_numbers<[1], [0], [0], [1], [0, 0, 1, 1], [], []>, transpose_lhs_hint = false} : vector<256x128xf32>, vector<128x128xf32>, vector<256x128xf32> -> vector<256x128xf32>
    %slice3A_488 = vector.extract_strided_slice %get3A_10 {offsets = [0, 2688], sizes = [1, 128], strides = [1, 1]} : vector<1x3200xf32> to vector<1x128xf32>
    %add3A_489 = vector.broadcast %slice3A_488 : vector<1x128xf32> to vector<256x128xf32>
    %add3A_490 = arith.addf %dot_general3A_487, %add3A_489 : vector<256x128xf32>
    %swap3A_491 = arith.constant 0 : index
    %swap3A_492 = arith.constant 2688 : index
    %swap3A_493 = vector.load %arg9[%swap3A_491, %swap3A_492] : memref<256x3200xf32, #tpu.memory_space<vmem>>, vector<256x128xf32>
    tpu.vector_store %arg9[%swap3A_491, %swap3A_492], %add3A_490 {strides = array<i32>} : memref<256x3200xf32, #tpu.memory_space<vmem>>, vector<256x128xf32>,
    %slice3A_494 = vector.extract_strided_slice %add3A_295 {offsets = [0, 2816], sizes = [256, 128], strides = [1, 1]} : vector<256x3200xf32> to vector<256x128xf32>
    %dot_general3A_495 = arith.constant dense<0.000000e+00> : vector<256x128xf32>
    %dot_general3A_496 = tpu.matmul %slice3A_494, %get3A_13, %dot_general3A_495 {dimension_numbers = #tpu.dot_dimension_numbers<[1], [0], [0], [1], [0, 0, 1, 1], [], []>, transpose_lhs_hint = false} : vector<256x128xf32>, vector<128x128xf32>, vector<256x128xf32> -> vector<256x128xf32>
    %slice3A_497 = vector.extract_strided_slice %get3A_10 {offsets = [0, 2816], sizes = [1, 128], strides = [1, 1]} : vector<1x3200xf32> to vector<1x128xf32>
    %add3A_498 = vector.broadcast %slice3A_497 : vector<1x128xf32> to vector<256x128xf32>
    %add3A_499 = arith.addf %dot_general3A_496, %add3A_498 : vector<256x128xf32>
    %swap3A_500 = arith.constant 0 : index
    %swap3A_501 = arith.constant 2816 : index
    %swap3A_502 = vector.load %arg9[%swap3A_500, %swap3A_501] : memref<256x3200xf32, #tpu.memory_space<vmem>>, vector<256x128xf32>
    tpu.vector_store %arg9[%swap3A_500, %swap3A_501], %add3A_499 {strides = array<i32>} : memref<256x3200xf32, #tpu.memory_space<vmem>>, vector<256x128xf32>,
    %slice3A_503 = vector.extract_strided_slice %add3A_295 {offsets = [0, 2944], sizes = [256, 128], strides = [1, 1]} : vector<256x3200xf32> to vector<256x128xf32>
    %dot_general3A_504 = arith.constant dense<0.000000e+00> : vector<256x128xf32>
    %dot_general3A_505 = tpu.matmul %slice3A_503, %get3A_13, %dot_general3A_504 {dimension_numbers = #tpu.dot_dimension_numbers<[1], [0], [0], [1], [0, 0, 1, 1], [], []>, transpose_lhs_hint = false} : vector<256x128xf32>, vector<128x128xf32>, vector<256x128xf32> -> vector<256x128xf32>
    %slice3A_506 = vector.extract_strided_slice %get3A_10 {offsets = [0, 2944], sizes = [1, 128], strides = [1, 1]} : vector<1x3200xf32> to vector<1x128xf32>
    %add3A_507 = vector.broadcast %slice3A_506 : vector<1x128xf32> to vector<256x128xf32>
    %add3A_508 = arith.addf %dot_general3A_505, %add3A_507 : vector<256x128xf32>
    %swap3A_509 = arith.constant 0 : index
    %swap3A_510 = arith.constant 2944 : index
    %swap3A_511 = vector.load %arg9[%swap3A_509, %swap3A_510] : memref<256x3200xf32, #tpu.memory_space<vmem>>, vector<256x128xf32>
    tpu.vector_store %arg9[%swap3A_509, %swap3A_510], %add3A_508 {strides = array<i32>} : memref<256x3200xf32, #tpu.memory_space<vmem>>, vector<256x128xf32>,
    %slice3A_512 = vector.extract_strided_slice %add3A_295 {offsets = [0, 3072], sizes = [256, 128], strides = [1, 1]} : vector<256x3200xf32> to vector<256x128xf32>
    %dot_general3A_513 = arith.constant dense<0.000000e+00> : vector<256x128xf32>
    %dot_general3A_514 = tpu.matmul %slice3A_512, %get3A_13, %dot_general3A_513 {dimension_numbers = #tpu.dot_dimension_numbers<[1], [0], [0], [1], [0, 0, 1, 1], [], []>, transpose_lhs_hint = false} : vector<256x128xf32>, vector<128x128xf32>, vector<256x128xf32> -> vector<256x128xf32>
    %slice3A_515 = vector.extract_strided_slice %get3A_10 {offsets = [0, 3072], sizes = [1, 128], strides = [1, 1]} : vector<1x3200xf32> to vector<1x128xf32>
    %add3A_516 = vector.broadcast %slice3A_515 : vector<1x128xf32> to vector<256x128xf32>
    %add3A_517 = arith.addf %dot_general3A_514, %add3A_516 : vector<256x128xf32>
    %swap3A_518 = arith.constant 0 : index
    %swap3A_519 = arith.constant 3072 : index
    %swap3A_520 = vector.load %arg9[%swap3A_518, %swap3A_519] : memref<256x3200xf32, #tpu.memory_space<vmem>>, vector<256x128xf32>
    tpu.vector_store %arg9[%swap3A_518, %swap3A_519], %add3A_517 {strides = array<i32>} : memref<256x3200xf32, #tpu.memory_space<vmem>>, vector<256x128xf32>,
    return
  }
  func.func @transform_0(%arg0: i32) -> (i32, i32) {
    %c0_i32 = arith.constant 0 : i32
    %c0_i32_0 = arith.constant 0 : i32
    return %arg0, %c0_i32 : i32, i32
  }
  func.func @transform_1(%arg0: i32) -> (i32, i32) {
    %c0_i32 = arith.constant 0 : i32
    %c0_i32_0 = arith.constant 0 : i32
    return %arg0, %c0_i32 : i32, i32
  }
  func.func @transform_2(%arg0: i32) -> (i32, i32) {
    %c0_i32 = arith.constant 0 : i32
    %c0_i32_0 = arith.constant 0 : i32
    %c0_i32_1 = arith.constant 0 : i32
    return %c0_i32, %c0_i32_0 : i32, i32
  }
  func.func @transform_3(%arg0: i32) -> (i32, i32) {
    %c0_i32 = arith.constant 0 : i32
    %c0_i32_0 = arith.constant 0 : i32
    %c0_i32_1 = arith.constant 0 : i32
    return %c0_i32, %c0_i32_0 : i32, i32
  }
  func.func @transform_4(%arg0: i32) -> (i32, i32) {
    %c0_i32 = arith.constant 0 : i32
    %c0_i32_0 = arith.constant 0 : i32
    %c0_i32_1 = arith.constant 0 : i32
    return %c0_i32, %c0_i32_0 : i32, i32
  }
  func.func @transform_5(%arg0: i32) -> (i32, i32) {
    %c0_i32 = arith.constant 0 : i32
    %c0_i32_0 = arith.constant 0 : i32
    %c0_i32_1 = arith.constant 0 : i32
    return %c0_i32, %c0_i32_0 : i32, i32
  }
  func.func @transform_6(%arg0: i32) -> (i32, i32) {
    %c0_i32 = arith.constant 0 : i32
    %c0_i32_0 = arith.constant 0 : i32
    %c0_i32_1 = arith.constant 0 : i32
    return %c0_i32, %c0_i32_0 : i32, i32
  }
  func.func @transform_7(%arg0: i32) -> (i32, i32) {
    %c0_i32 = arith.constant 0 : i32
    %c0_i32_0 = arith.constant 0 : i32
    return %arg0, %c0_i32 : i32, i32
  }
  func.func @transform_8(%arg0: i32) -> (i32, i32) {
    %c0_i32 = arith.constant 0 : i32
    %c0_i32_0 = arith.constant 0 : i32
    return %arg0, %c0_i32 : i32, i32
  }
}

</mosaic_0001>

<sc_bundles>
// kernel: kernel.4.cloned.1.call-start
scs
__scs_entry_jumppad:
0x0: {  	(pc) =	sbr.rel $0x88, $3  }
0x1: {  	(tag) =	ssettag $0x0;
	lr =	simm.s32 $0x1  }
0x2: {  	[smem:$0x3F9B] =	sst lr;
	_ =	strace $0xD0000000  }
0x3: {  	_ = 	snop  }
0x4: {  	_ = 	snop  }
0x5: {  	_ = 	snop  }
0x6: {  	_ = 	snop  }
0x7: {  	_ = 	snop  }
__scs_overlays_trampoline_lowered:
0x8: {  	[smem:$0x3FAA] =	sst s0  }
0x9: {  	[smem:$0x3FAB] =	sst s1  }
0xa: {  	[smem:$0x3FAC] =	sst s2  }
0xb: {  	[smem:$0x3FAD] =	sst s3  }
0xc: {  	[smem:$0x3FAE] =	sst s4  }
0xd: {  	[smem:$0x3FAF] =	sst s5  }
0xe: {  	[smem:$0x3FB0] =	sst s6  }
0xf: {  	[smem:$0x3FB1] =	sst s7  }
0x10: {  	[smem:$0x3FB2] =	sst s8  }
0x11: {  	[smem:$0x3FB3] =	sst s9;
	s0 =	simm.s32 @!p0 $0x0  }
0x12: {  	s1 =	sld [smem:$0x3F99];
	s0 =	simm.s32 @p0 $0x1  }
0x13: {  	[smem:$0x3FB4] =	sst s0;
	s0 =	simm.s32 @!p1 $0x0  }
0x14: {  	s2 =	sld [smem:$0x3F98];
	s0 =	simm.s32 @p1 $0x1  }
0x15: {  	[smem:$0x3FB5] =	sst s0;
	s0 =	simm.s32 @!p2 $0x0  }
0x16: {  	s3 =	sld [smem:$0x3FDB];
	s0 =	simm.s32 @p2 $0x1  }
0x17: {  	s4 =	simm.s32 $0x1BF5;
	[smem:$0x3FB7] =	sst s0  }
0x18: {  	s0 =	sld [smem:$0x3F9A];
	_ =	swait.ge [sflag:s4], $0x0  }
0x19: {  	s7 =	sld [smem:$0x3F9B]  }
0x1a: {  	s8 =	sadd.s32 $0xFFFFE003, lr  }
0x1b: {  	s9 =	sadd.s32 $0xFFFFFEF7, lr;
	s5 =	simm.s32 $0xFFFFFFFF;
	p2 =	slt.u32 s8, $0xFFFFF086  }
0x1c: {  	p1 =	slt.u32 s9, $0xF7A;
	s5 =	simm.s32 @!p2 $0x0  }
0x1d: {  	s5 =	simm.s32 @p1 $0x1;
	p0 =	seq.s32 s7, s2  }
0x1e: {  	s7 =	smul.u32 @!p0 $0xF7A, s2;
	p2 =	seq.s32 @!p0 s5, $0x0  }
0x1f: {  	s9 =	smul.u32 $0xF7A, s1;
	s8 =	simm.s32 @!p0 $0x1BF5;
	p2 =	por !p2, p0  }
0x20: {  	[sflag:s8] =	ssyncset.s32 @!p0 $0xFFFFF086;
	s6 =	sadd.s32 @!p0 s3, s7;
	s7 =	simm.s32 @!p0 $0x108  }
0x21: {  	s3 =	sadd.s32 s3, s9;
	s6 =	sadd.s32 @!p0 $0x88, s6;
	s7 =	simm.s32 @p2 $0x1082  }
0x22: {  	[simem:s7], [sflag:s8] =	dma.local @!p0 [hbm:s6], $0xF7A  }
0x23: {  	s9 =	sor.u32 $0xD0000000, s2;
	s6 =	simm.s32 $0x108;
	_ =	swait.ge @!p0 [sflag:s8], $0x0  }
0x24: {  	s3 =	sadd.s32 $0x88, s3;
	s6 =	simm.s32 @!p1 $0x1082;
	[sflag:s4] =	ssyncset.s32 $0xFFFFF086  }
0x25: {  	[simem:s6], [sflag:s4] =	dma.local [hbm:s3], $0xF7A  }
0x26: {  	[smem:$0x3F9B] =	sst s1;
	(tag) =	ssettag s2;
	_ =	strace s9  }
0x27: {  	s1 =	sld [smem:$0x3FAB]  }
0x28: {  	s2 =	sld [smem:$0x3FAC]  }
0x29: {  	s4 =	sld [smem:$0x3FAE]  }
0x2a: {  	p0 =	seq.s32 s5, $0x0;
	s5 =	sld [smem:$0x3FAF]  }
0x2b: {  	s6 =	sld [smem:$0x3FB0]  }
0x2c: {  	s7 =	sld [smem:$0x3FB1]  }
0x2d: {  	s3 =	simm.s32 $0x108;
	s8 =	sld [smem:$0x3FB2]  }
0x2e: {  	s3 =	simm.s32 @!p0 $0x1082;
	s9 =	sld [smem:$0x3FB3]  }
0x2f: {  	lr =	sadd.s32 s0, s3;
	s0 =	sld [smem:$0x3FAA]  }
0x30: {  	s3 =	sld [smem:$0x3FAD]  }
0x31: {  	[smem:$0x3FB6] =	sst s10  }
0x32: {  	s10 =	sld [smem:$0x3FB4];
	_ =	sdelay $0x3  }
0x33: {  	p0 =	seq.s32 s10, $0x1;
	s10 =	sld [smem:$0x3FB6];
	_ =	sdelay $0x3  }
0x34: {  	[smem:$0x3FB6] =	sst s10  }
0x35: {  	s10 =	sld [smem:$0x3FB5];
	_ =	sdelay $0x3  }
0x36: {  	p1 =	seq.s32 s10, $0x1;
	s10 =	sld [smem:$0x3FB6];
	_ =	sdelay $0x3  }
0x37: {  	[smem:$0x3FB6] =	sst s10  }
0x38: {  	s10 =	sld [smem:$0x3FB7]  }
0x39: {  	_ = 	snop;
	(pc) =	sbr.ind lr, $3  }
0x3a: {  	_ = 	snop  }
0x3b: {  	_ = 	snop  }
0x3c: {  	p2 =	seq.s32 s10, $0x1;
	s10 =	sld [smem:$0x3FB6]  }
0x3d: {  	_ =	shalt  }
0x3e: {  	_ =	shalt  }
0x3f: {  	_ =	shalt  }
0x40: {  	_ =	shalt  }
0x41: {  	_ =	shalt  }
0x42: {  	_ =	shalt  }
0x43: {  	_ =	shalt  }
0x44: {  	_ =	shalt  }
0x45: {  	_ =	shalt  }
0x46: {  	_ =	shalt  }
0x47: {  	_ =	shalt  }
0x48: {  	_ =	shalt  }
0x49: {  	_ =	shalt  }
0x4a: {  	_ =	shalt  }
0x4b: {  	_ =	shalt  }
0x4c: {  	_ =	shalt  }
0x4d: {  	_ =	shalt  }
0x4e: {  	_ =	shalt  }
0x4f: {  	_ =	shalt  }
0x50: {  	_ =	shalt  }
0x51: {  	_ =	shalt  }
0x52: {  	_ =	shalt  }
0x53: {  	_ =	shalt  }
0x54: {  	_ =	shalt  }
0x55: {  	_ =	shalt  }
0x56: {  	_ =	shalt  }
0x57: {  	_ =	shalt  }
0x58: {  	_ =	shalt  }
0x59: {  	_ =	shalt  }
0x5a: {  	_ =	shalt  }
0x5b: {  	_ =	shalt  }
0x5c: {  	_ =	shalt  }
0x5d: {  	_ =	shalt  }
0x5e: {  	_ =	shalt  }
0x5f: {  	_ =	shalt  }
0x60: {  	_ =	shalt  }
0x61: {  	_ =	shalt  }
0x62: {  	_ =	shalt  }
0x63: {  	_ =	shalt  }
0x64: {  	_ =	shalt  }
0x65: {  	_ =	shalt  }
0x66: {  	_ =	shalt  }
0x67: {  	_ =	shalt  }
0x68: {  	_ =	shalt  }
0x69: {  	_ =	shalt  }
0x6a: {  	_ =	shalt  }
0x6b: {  	_ =	shalt  }
0x6c: {  	_ =	shalt  }
0x6d: {  	_ =	shalt  }
0x6e: {  	_ =	shalt  }
0x6f: {  	_ =	shalt  }
0x70: {  	_ =	shalt  }
0x71: {  	_ =	shalt  }
0x72: {  	_ =	shalt  }
0x73: {  	_ =	shalt  }
0x74: {  	_ =	shalt  }
0x75: {  	_ =	shalt  }
0x76: {  	_ =	shalt  }
0x77: {  	_ =	shalt  }
0x78: {  	_ =	shalt  }
0x79: {  	_ =	shalt  }
0x7a: {  	_ =	shalt  }
0x7b: {  	_ =	shalt  }
0x7c: {  	_ =	shalt  }
0x7d: {  	_ =	shalt  }
0x7e: {  	_ =	shalt  }
0x7f: {  	_ =	shalt  }
0x80: {  	_ =	shalt  }
0x81: {  	_ =	shalt  }
0x82: {  	_ =	shalt  }
0x83: {  	_ =	shalt  }
0x84: {  	_ =	shalt  }
0x85: {  	_ =	shalt  }
0x86: {  	_ =	shalt  }
0x87: {  	_ =	shalt  }
.Lfunc_end0:
.L_simem_size_0:
called_computation_lowered:
.L_overlay_start_0:
0x88: {  	s2 =	sld [smem:$0x3FD9]  }
0x89: {  	s3 =	sld [smem:$0x3FFE];
	_ =	sdelay $0x1  }
0x8a: {  	s1 =	srdreg.scid  }
0x8b: {  	s0 =	sand.u32 $0x1, s1  }
0x8c: {  	s14 =	sshll.u32 s0, $0xA;
	s2 =	sadd.s32 s3, s2  }
0x8d: {  	s2 =	sadd.s32 s2, s14  }
0x8e: {  	[smem:$0x3FC2] =	sst s2  }
0x8f: {  	_ = 	snop  }
0x90: {  	s2 =	sld [smem:$0x3FD0];
	_ =	sdelay $0x2  }
0x91: {  	s15 =	simm.s32 $0xA;
	s4 =	simm.s32 $0x10  }
0x92: {  	[smem:s4], [sflag:s15] =	dma.local [hbm:s2], $0x1  }
0x93: {  	_ =	swait.eq [sflag:s15], $0x1  }
0x94: {  	[sflag:s15] =	ssyncset.done $0x0  }
0x95: {  	s16 =	sld [smem:$0x10];
	[sflag:s15] =	ssyncadd.s32 $0xFFFFFFFF  }
0x96: {  	s17 =	sld [smem:$0x11];
	(tm) =	ssettm $0x1  }
0x97: {  	s18 =	sld [smem:$0x3FFB];
	_ =	sdelay $0x3  }
0x98: {  	_ =	strace s18  }
0x99: {  	s4 =	sld [smem:$0x3FFC];
	_ =	sdelay $0x3  }
0x9a: {  	_ =	strace s4  }
0x9b: {  	s4 =	sld [smem:$0x3FFD];
	_ =	sdelay $0x3  }
0x9c: {  	_ =	strace s4  }
0x9d: {  	_ =	strace $0x8FFFFFFF  }
0x9e: {  	s19 =	sld [smem:$0x3FDB];
	_ =	sdelay $0x1  }
0x9f: {  	s5 =	simm.s32 $_scs_section_size  }
0xa0: {  	s6 =	simm.s32 $_size__tile_overlayer_lowered;
	s7 =	simm.s32 $_tile_overlayer_lowered  }
0xa1: {  	s22 =	simm.s32 $0x1BFF;
	s21 =	sshll.u32 s7, $0x1;
	s4 =	sadd.s32 s5, s19  }
0xa2: {  	s8 =	simm.s32 $0x0;
	s20 =	sshll.u32 s6, $0x1;
	s6 =	sadd.s32 s21, s4  }
0xa3: {  	[timem:s8], [sflag:s22] =	dma.local [hbm:s6], s20  }
0xa4: {  	_ =	swait.ge [sflag:s22], s20  }
0xa5: {  	s5 =	ssub.s32 $0x0, s20;
	[sflag:s22] =	ssyncset.done $0x0  }
0xa6: {  	[sflag:s22] =	ssyncadd.s32 s5;
	_ =	sdelay $0x1  }
0xa7: {  	s23 =	simm.s32 $0x1B8B  }
0xa8: {  	_ =	swait.ge [sflag:s23], $0x1  }
0xa9: {  	[sflag:s23] =	ssyncset.done $0x0  }
0xaa: {  	s25 =	simm.s32 $0x1B8E;
	s24 =	sld [smem:$0x3FFE];
	[sflag:s23] =	ssyncadd.s32 $0xFFFFFFFF  }
0xab: {  	s26 =	simm.s32 $execute0_lowered;
	[smem:$0x3FD2] =	sst s25  }
0xac: {  	s6 =	sshll.u32 s26, $0x1;
	_ =	strace $0x80000046;
	[dreg:$0x1] =	wrdreg $0xFFFFFFFF  }
0xad: {  	s28 =	simm.s32 $_size_execute0_lowered;
	s4 =	sadd.s32 s4, s6;
	[dreg:$0x0] =	wrdreg $0x0  }
0xae: {  	s6 =	sshll.u32 s28, $0x1;
	[dreg:$0x2] =	wrdreg s4  }
0xaf: {  	[dreg:$0x3] =	wrdreg s6  }
0xb0: {  	[dreg:$0x4] =	wrdreg $0xC0  }
0xb1: {  	_ =	task [dreg:s8], $0x5FFFF  }
0xb2: {  	[dreg:$0x1] =	wrdreg $0xFFFFFFFF  }
0xb3: {  	[dreg:$0x0] =	wrdreg $0x60  }
0xb4: {  	[dreg:$0x2] =	wrdreg s17  }
0xb5: {  	[dreg:$0x3] =	wrdreg s16  }
0xb6: {  	[dreg:$0x4] =	wrdreg s24  }
0xb7: {  	[dreg:$0x5] =	wrdreg $0x9  }
0xb8: {  	_ =	task.clear_ibuf [dreg:s8], $0x6FFFF;
	_ =	strace $0x90000046  }
0xb9: {  	s29 =	simm.s32 $0x9;
	_ =	strace $0x80000048  }
0xba: {  	_ =	swait.ge [sflag:s29], $0x1  }
0xbb: {  	[sflag:s29] =	ssyncadd.s32 $0xFFFFFFFF  }
0xbc: {  	_ =	strace $0x90000048  }
0xbd: {  	_ =	sfence  }
0xbe: {  	s30 =	sld [smem:$0x0];
	_ =	sdelay $0x2  }
0xbf: {  	s31 =	sshll.u32 s1, $0xD;
	s1 =	sshrl.u32 s1, $0x2  }
0xc0: {  	s3 =	sand.u32 $0x4000, s31;
	s1 =	sadd.s32 s1, s30  }
0xc1: {  	s0 =	sor.u32 s3, s0;
	s1 =	sshll.u32 s1, $0x11  }
0xc2: {  	s0 =	sor.u32 s1, s0  }
0xc3: {  	s0 =	sadd.s32 $0x8F2B, s0  }
0xc4: {  	[sflag:s0] =	ssyncadd.remote.s32 $0x1  }
0xc5: {  	_ =	sfence.sel $0xFFFF  }
0xc6: {  	[dreg:$0x0] =	wrdreg $0xFFFFFFFF;
	(pc) =	sbr.abs _section_cstart, $3  }
0xc7: {  	[dreg:$0x1] =	wrdreg $0xFFFFFFFF  }
0xc8: {  	_ =	task.clear_ibuf [dreg:s8], $0x2FFFF;
	_ =	strace $0x9FFFFFFF  }
0xc9: {  	(tm) =	ssettm $0x7FFFFFFF  }
tec
execute0_lowered:
.L_overlay_start_1:
0x0: {  	(tag) =	ssettag $0x1  }
0x1: {  	s4 =	rddreg [dreg:$0x0]  }
0x2: {  	s5 =	rddreg [dreg:$0x1]  }
0x3: {  	s6 =	rddreg [dreg:$0x2]  }
0x4: {  	s0 =	rddreg [dreg:$0x3];
	s2 =	simm.s32 $0x0;
	s3 =	srdreg.scid  }
0x5: {  	s1 =	stileid.u32;
	s11 =	simm.s32 $0x2000;
	s12 =	simm.s32 $0x0  }
0x6: {  	[smem:$0x7FF] =	sst s2;
	s3 =	sand.u32 $0x1, s3;
	s7 =	sshll.u32 s1, $0xB  }
0x7: {  	s8 =	sshll.u32 s3, $0xA;
	s9 =	ssub.s32 $0x2, s3;
	_ =	strace $0x80000047  }
0x8: {  	s3 =	sadd.s32 $0x1800, s6;
	s7 =	sor.u32 s8, s7;
	s31 =	sshrl.u32 s9, $0x1  }
0x9: {  	s10 =	sadd.s32 s7, s6;
	s8 =	ssub.s32 s9, s31;
	s4 =	sadd.s32 s4, s7  }
0xa: {  	s5 =	sadd.s32 s5, s7;
	s9 =	simm.s32 $0x4000;
	s6 =	sadd.s32 $0x4A00, s10  }
0xb: {  	v0 =	vimm.s32 $0x1;
	v1 =	vimm.s32 $0x10000;
	v2 =	vimm.s32 $0x0;
	s7 =	sadd.s32 $0xCA00, s10;
	s8 =	smax.u32 s8, $0x1;
	s10 =	simm.s32 $0x1  }
.LBB2_1:
0xc: {  	[tilespmem:s9], [sflag:$0x1] =	stream.linear.gather [hbm4b:s3+s2], $0x18700, $0x38;
	[tilespmem:$0x1C700] =	vst v63  }
0xd: {  	_ =	swait.ge [sflag:s10], $0x18700  }
0xe: {  	[sflag:s10] =	ssyncset.done $0x0  }
0xf: {  	[sflag:s10] =	ssyncadd.s32 $0xFFFE7900  }
0x10: {  	[tilespmem:s2], [sflag:$0x1] =	stream.linear.gather [hbm4b:s4+s2], $0x2000, $0x38;
	[tilespmem:$0x1C700] =	vst v63  }
0x11: {  	_ =	swait.ge [sflag:s10], $0x2000  }
0x12: {  	[sflag:s10] =	ssyncset.done $0x0  }
0x13: {  	[sflag:s10] =	ssyncadd.s32 $0xFFFFE000  }
0x14: {  	[tilespmem:s11], [sflag:$0x1] =	stream.linear.gather [hbm4b:s5+s2], $0x2000, $0x38;
	[tilespmem:$0x1C700] =	vst v63  }
0x15: {  	_ =	swait.ge [sflag:s10], $0x2000  }
0x16: {  	s13 =	sand.u32 $0x1800, s2;
	s14 =	sand.u32 $0x380, s2;
	[sflag:s10] =	ssyncset.done $0x0  }
0x17: {  	s13 =	sor.u32 s14, s13;
	[sflag:s10] =	ssyncadd.s32 $0xFFFFE000  }
0x18: {  	v13 =	vld [tilespmem:s13+$0x70]  }
0x19: {  	v7 =	vld [tilespmem:s13+$0x2010]  }
0x1a: {  	v11 =	vld [tilespmem:s13+$0x420]  }
0x1b: {  	v8 =	vld [tilespmem:s13+$0x2020]  }
0x1c: {  	v3 =	vld [tilespmem:s13+$0x2430]  }
0x1d: {  	v4 =	vld [tilespmem:s13+$0x2420]  }
0x1e: {  	v5 =	vld [tilespmem:s13+$0x2410]  }
0x1f: {  	v6 =	vld [tilespmem:s13+$0x2400]  }
0x20: {  	v9 =	vld [tilespmem:s13+$0x2070]  }
0x21: {  	v10 =	vld [tilespmem:s13+$0x2060]  }
0x22: {  	v12 =	vld [tilespmem:s13+$0x2050]  }
0x23: {  	v15 =	vld [tilespmem:s13+$0x410]  }
0x24: {  	v22 =	vld [tilespmem:s13+$0x60]  }
0x25: {  	v23 =	vld [tilespmem:s13+$0x50]  }
0x26: {  	v24 =	vld [tilespmem:s13+$0x40]  }
0x27: {  	v25 =	vld [tilespmem:s13+$0x30]  }
0x28: {  	v26 =	vld [tilespmem:s13+$0x20]  }
0x29: {  	v27 =	vld [tilespmem:s13+$0x10]  }
0x2a: {  	v28 =	vld [tilespmem:s13+$0x0]  }
0x2b: {  	v18 =	vld [tilespmem:s13+$0x430]  }
0x2c: {  	v16 =	vld [tilespmem:s13+$0x2030]  }
0x2d: {  	v21 =	vld [tilespmem:s13+$0x400]  }
0x2e: {  	v17 =	vld [tilespmem:s13+$0x2040]  }
0x2f: {  	v19 =	vld [tilespmem:s13+$0x440]  }
0x30: {  	v20 =	vld [tilespmem:s13+$0x2000]  }
0x31: {  	v14 =	vld [tilespmem:s13+$0x2440]  }
0x32: {  	[tilespmem:v28+s9+$0x0] =	vst.idx.add.s32.msk $0xffff, v0  }
0x33: {  	[tilespmem:v27+s9+$0x0] =	vst.idx.add.s32.msk $0xffff, v0  }
0x34: {  	[tilespmem:v26+s9+$0x0] =	vst.idx.add.s32.msk $0xffff, v0  }
0x35: {  	[tilespmem:v25+s9+$0x0] =	vst.idx.add.s32.msk $0xffff, v0  }
0x36: {  	[tilespmem:v24+s9+$0x0] =	vst.idx.add.s32.msk $0xffff, v0  }
0x37: {  	[tilespmem:v23+s9+$0x0] =	vst.idx.add.s32.msk $0xffff, v0  }
0x38: {  	[tilespmem:v22+s9+$0x0] =	vst.idx.add.s32.msk $0xffff, v0  }
0x39: {  	[tilespmem:v13+s9+$0x0] =	vst.idx.add.s32.msk $0xffff, v0  }
0x3a: {  	[tilespmem:v21+s9+$0x0] =	vst.idx.add.s32.msk $0xffff, v0  }
0x3b: {  	[tilespmem:v15+s9+$0x0] =	vst.idx.add.s32.msk $0xffff, v0  }
0x3c: {  	[tilespmem:v11+s9+$0x0] =	vst.idx.add.s32.msk $0xffff, v0  }
0x3d: {  	[tilespmem:v18+s9+$0x0] =	vst.idx.add.s32.msk $0xffff, v0  }
0x3e: {  	[tilespmem:v19+s9+$0x0] =	vst.idx.add.s32.msk $0xffff, v0  }
0x3f: {  	[tilespmem:v20+s9+$0x0] =	vst.idx.add.s32.msk $0xffff, v1  }
0x40: {  	[tilespmem:v7+s9+$0x0] =	vst.idx.add.s32.msk $0xffff, v1  }
0x41: {  	[tilespmem:v8+s9+$0x0] =	vst.idx.add.s32.msk $0xffff, v1  }
0x42: {  	[tilespmem:v16+s9+$0x0] =	vst.idx.add.s32.msk $0xffff, v1  }
0x43: {  	[tilespmem:v17+s9+$0x0] =	vst.idx.add.s32.msk $0xffff, v1  }
0x44: {  	[tilespmem:v12+s9+$0x0] =	vst.idx.add.s32.msk $0xffff, v1  }
0x45: {  	[tilespmem:v10+s9+$0x0] =	vst.idx.add.s32.msk $0xffff, v1  }
0x46: {  	[tilespmem:v9+s9+$0x0] =	vst.idx.add.s32.msk $0xffff, v1  }
0x47: {  	[tilespmem:v6+s9+$0x0] =	vst.idx.add.s32.msk $0xffff, v1  }
0x48: {  	[tilespmem:v5+s9+$0x0] =	vst.idx.add.s32.msk $0xffff, v1  }
0x49: {  	[tilespmem:v4+s9+$0x0] =	vst.idx.add.s32.msk $0xffff, v1  }
0x4a: {  	[tilespmem:v3+s9+$0x0] =	vst.idx.add.s32.msk $0xffff, v1  }
0x4b: {  	[tilespmem:v14+s9+$0x0] =	vst.idx.add.s32.msk $0xffff, v1  }
0x4c: {  	v29 =	vld.idx.msk [tilespmem:v28+s9+$0x0], $0xffff;
	_ =	sdelay $0x3  }
0x4d: {  	vm0 =	veq.s32 v28, $0x0  }
0x4e: {  	v29 =	vsel vm0, $0x0, v29  }
0x4f: {  	[tilespmem:s13+$0x0] =	vst v29  }
0x50: {  	v29 =	vld.idx.msk [tilespmem:v27+s9+$0x0], $0xffff;
	_ =	sdelay $0x3  }
0x51: {  	vm15 =	veq.s32 v27, $0x0  }
0x52: {  	v29 =	vsel vm15, $0x0, v29  }
0x53: {  	[tilespmem:s13+$0x10] =	vst v29  }
0x54: {  	v29 =	vld.idx.msk [tilespmem:v26+s9+$0x0], $0xffff;
	_ =	sdelay $0x3  }
0x55: {  	vm4 =	veq.s32 v26, $0x0  }
0x56: {  	v29 =	vsel vm4, $0x0, v29  }
0x57: {  	[tilespmem:s13+$0x20] =	vst v29  }
0x58: {  	v29 =	vld.idx.msk [tilespmem:v25+s9+$0x0], $0xffff;
	_ =	sdelay $0x3  }
0x59: {  	vm5 =	veq.s32 v25, $0x0  }
0x5a: {  	v29 =	vsel vm5, $0x0, v29  }
0x5b: {  	[tilespmem:s13+$0x30] =	vst v29  }
0x5c: {  	v29 =	vld.idx.msk [tilespmem:v24+s9+$0x0], $0xffff;
	_ =	sdelay $0x3  }
0x5d: {  	vm6 =	veq.s32 v24, $0x0  }
0x5e: {  	v29 =	vsel vm6, $0x0, v29  }
0x5f: {  	[tilespmem:s13+$0x40] =	vst v29  }
0x60: {  	v29 =	vld.idx.msk [tilespmem:v23+s9+$0x0], $0xffff;
	_ =	sdelay $0x3  }
0x61: {  	vm7 =	veq.s32 v23, $0x0  }
0x62: {  	v29 =	vsel vm7, $0x0, v29  }
0x63: {  	[tilespmem:s13+$0x50] =	vst v29  }
0x64: {  	v29 =	vld.idx.msk [tilespmem:v22+s9+$0x0], $0xffff;
	_ =	sdelay $0x3  }
0x65: {  	vm8 =	veq.s32 v22, $0x0  }
0x66: {  	v29 =	vsel vm8, $0x0, v29  }
0x67: {  	[tilespmem:s13+$0x60] =	vst v29  }
0x68: {  	v29 =	vld.idx.msk [tilespmem:v13+s9+$0x0], $0xffff;
	_ =	sdelay $0x3  }
0x69: {  	vm9 =	veq.s32 v13, $0x0  }
0x6a: {  	v29 =	vsel vm9, $0x0, v29  }
0x6b: {  	[tilespmem:s13+$0x70] =	vst v29  }
0x6c: {  	v29 =	vld.idx.msk [tilespmem:v21+s9+$0x0], $0xffff;
	_ =	sdelay $0x3  }
0x6d: {  	vm10 =	veq.s32 v21, $0x0  }
0x6e: {  	v29 =	vsel vm10, $0x0, v29  }
0x6f: {  	[tilespmem:s13+$0x400] =	vst v29  }
0x70: {  	v29 =	vld.idx.msk [tilespmem:v15+s9+$0x0], $0xffff;
	_ =	sdelay $0x3  }
0x71: {  	vm11 =	veq.s32 v15, $0x0  }
0x72: {  	v29 =	vsel vm11, $0x0, v29  }
0x73: {  	[tilespmem:s13+$0x410] =	vst v29  }
0x74: {  	v29 =	vld.idx.msk [tilespmem:v11+s9+$0x0], $0xffff;
	_ =	sdelay $0x3  }
0x75: {  	vm12 =	veq.s32 v11, $0x0  }
0x76: {  	v29 =	vsel vm12, $0x0, v29  }
0x77: {  	[tilespmem:s13+$0x420] =	vst v29  }
0x78: {  	v29 =	vld.idx.msk [tilespmem:v18+s9+$0x0], $0xffff;
	_ =	sdelay $0x3  }
0x79: {  	vm13 =	veq.s32 v18, $0x0  }
0x7a: {  	v29 =	vsel vm13, $0x0, v29  }
0x7b: {  	[tilespmem:s13+$0x430] =	vst v29  }
0x7c: {  	v29 =	vld.idx.msk [tilespmem:v19+s9+$0x0], $0xffff;
	_ =	sdelay $0x3  }
0x7d: {  	vm14 =	veq.s32 v19, $0x0  }
0x7e: {  	v29 =	vsel vm14, $0x0, v29  }
0x7f: {  	[tilespmem:s13+$0x440] =	vst v29  }
0x80: {  	v29 =	vld.idx.msk [tilespmem:v20+s9+$0x0], $0xffff;
	_ =	sdelay $0x3  }
0x81: {  	vm15 =	veq.s32 v20, $0x0  }
0x82: {  	v29 =	vsel vm15, $0x0, v29  }
0x83: {  	[tilespmem:s13+$0x2000] =	vst v29  }
0x84: {  	v29 =	vld.idx.msk [tilespmem:v7+s9+$0x0], $0xffff;
	_ =	sdelay $0x3  }
0x85: {  	vm4 =	veq.s32 v7, $0x0  }
0x86: {  	v29 =	vsel vm4, $0x0, v29  }
0x87: {  	[tilespmem:s13+$0x2010] =	vst v29  }
0x88: {  	v29 =	vld.idx.msk [tilespmem:v8+s9+$0x0], $0xffff;
	_ =	sdelay $0x3  }
0x89: {  	vm5 =	veq.s32 v8, $0x0  }
0x8a: {  	v29 =	vsel vm5, $0x0, v29  }
0x8b: {  	[tilespmem:s13+$0x2020] =	vst v29  }
0x8c: {  	v29 =	vld.idx.msk [tilespmem:v16+s9+$0x0], $0xffff;
	_ =	sdelay $0x3  }
0x8d: {  	vm6 =	veq.s32 v16, $0x0  }
0x8e: {  	v29 =	vsel vm6, $0x0, v29  }
0x8f: {  	[tilespmem:s13+$0x2030] =	vst v29  }
0x90: {  	v29 =	vld.idx.msk [tilespmem:v17+s9+$0x0], $0xffff;
	_ =	sdelay $0x3  }
0x91: {  	vm7 =	veq.s32 v17, $0x0  }
0x92: {  	v29 =	vsel vm7, $0x0, v29  }
0x93: {  	[tilespmem:s13+$0x2040] =	vst v29  }
0x94: {  	v29 =	vld.idx.msk [tilespmem:v12+s9+$0x0], $0xffff;
	_ =	sdelay $0x3  }
0x95: {  	vm8 =	veq.s32 v12, $0x0  }
0x96: {  	v29 =	vsel vm8, $0x0, v29  }
0x97: {  	[tilespmem:s13+$0x2050] =	vst v29  }
0x98: {  	v29 =	vld.idx.msk [tilespmem:v10+s9+$0x0], $0xffff;
	_ =	sdelay $0x3  }
0x99: {  	vm9 =	veq.s32 v10, $0x0  }
0x9a: {  	v29 =	vsel vm9, $0x0, v29  }
0x9b: {  	[tilespmem:s13+$0x2060] =	vst v29  }
0x9c: {  	v29 =	vld.idx.msk [tilespmem:v9+s9+$0x0], $0xffff;
	_ =	sdelay $0x3  }
0x9d: {  	vm10 =	veq.s32 v9, $0x0  }
0x9e: {  	v29 =	vsel vm10, $0x0, v29  }
0x9f: {  	[tilespmem:s13+$0x2070] =	vst v29  }
0xa0: {  	v29 =	vld.idx.msk [tilespmem:v6+s9+$0x0], $0xffff;
	_ =	sdelay $0x3  }
0xa1: {  	vm11 =	veq.s32 v6, $0x0  }
0xa2: {  	v29 =	vsel vm11, $0x0, v29  }
0xa3: {  	[tilespmem:s13+$0x2400] =	vst v29  }
0xa4: {  	v29 =	vld.idx.msk [tilespmem:v5+s9+$0x0], $0xffff;
	_ =	sdelay $0x3  }
0xa5: {  	vm12 =	veq.s32 v5, $0x0  }
0xa6: {  	v29 =	vsel vm12, $0x0, v29  }
0xa7: {  	[tilespmem:s13+$0x2410] =	vst v29  }
0xa8: {  	v29 =	vld.idx.msk [tilespmem:v4+s9+$0x0], $0xffff;
	_ =	sdelay $0x3  }
0xa9: {  	vm13 =	veq.s32 v4, $0x0  }
0xaa: {  	v29 =	vsel vm13, $0x0, v29  }
0xab: {  	[tilespmem:s13+$0x2420] =	vst v29  }
0xac: {  	v29 =	vld.idx.msk [tilespmem:v3+s9+$0x0], $0xffff;
	_ =	sdelay $0x3  }
0xad: {  	vm14 =	veq.s32 v3, $0x0  }
0xae: {  	v29 =	vsel vm14, $0x0, v29  }
0xaf: {  	[tilespmem:s13+$0x2430] =	vst v29  }
0xb0: {  	v29 =	vld.idx.msk [tilespmem:v14+s9+$0x0], $0xffff;
	_ =	sdelay $0x3  }
0xb1: {  	vm15 =	veq.s32 v14, $0x0  }
0xb2: {  	v29 =	vsel vm15, $0x0, v29  }
0xb3: {  	[tilespmem:s13+$0x2440] =	vst v29  }
0xb4: {  	[tilespmem:v28+s9+$0x0] =	vst.idx.msk $0xffff, v2  }
0xb5: {  	[tilespmem:v27+s9+$0x0] =	vst.idx.msk $0xffff, v2  }
0xb6: {  	[tilespmem:v26+s9+$0x0] =	vst.idx.msk $0xffff, v2  }
0xb7: {  	[tilespmem:v25+s9+$0x0] =	vst.idx.msk $0xffff, v2  }
0xb8: {  	[tilespmem:v24+s9+$0x0] =	vst.idx.msk $0xffff, v2  }
0xb9: {  	[tilespmem:v23+s9+$0x0] =	vst.idx.msk $0xffff, v2  }
0xba: {  	s14 =	simm.s32 $0x0;
	s13 =	simm.s32 $0x100;
	[tilespmem:v22+s9+$0x0] =	vst.idx.msk $0xffff, v2  }
.LBB2_2:
0xbb: {  	p0 =	sne.s32 s13, $0x1F00  }
0xbc: {  	[tilespmem:v13+s9+$0x0] =	vst.idx.msk $0xffff, v2;
	s14 =	sadd.s32 $0x80, s14;
	s15 =	smov.u32 s13;
	s13 =	sadd.s32 $0x100, s13  }
0xbd: {  	[tilespmem:v21+s9+$0x0] =	vst.idx.msk $0xffff, v2  }
0xbe: {  	[tilespmem:v15+s9+$0x0] =	vst.idx.msk $0xffff, v2  }
0xbf: {  	[tilespmem:v11+s9+$0x0] =	vst.idx.msk $0xffff, v2  }
0xc0: {  	[tilespmem:v18+s9+$0x0] =	vst.idx.msk $0xffff, v2  }
0xc1: {  	[tilespmem:v19+s9+$0x0] =	vst.idx.msk $0xffff, v2  }
0xc2: {  	[tilespmem:v20+s9+$0x0] =	vst.idx.msk $0xffff, v2  }
0xc3: {  	[tilespmem:v7+s9+$0x0] =	vst.idx.msk $0xffff, v2  }
0xc4: {  	[tilespmem:v8+s9+$0x0] =	vst.idx.msk $0xffff, v2  }
0xc5: {  	[tilespmem:v16+s9+$0x0] =	vst.idx.msk $0xffff, v2  }
0xc6: {  	[tilespmem:v17+s9+$0x0] =	vst.idx.msk $0xffff, v2  }
0xc7: {  	[tilespmem:v12+s9+$0x0] =	vst.idx.msk $0xffff, v2  }
0xc8: {  	[tilespmem:v10+s9+$0x0] =	vst.idx.msk $0xffff, v2  }
0xc9: {  	[tilespmem:v9+s9+$0x0] =	vst.idx.msk $0xffff, v2  }
0xca: {  	[tilespmem:v6+s9+$0x0] =	vst.idx.msk $0xffff, v2  }
0xcb: {  	[tilespmem:v5+s9+$0x0] =	vst.idx.msk $0xffff, v2  }
0xcc: {  	[tilespmem:v4+s9+$0x0] =	vst.idx.msk $0xffff, v2  }
0xcd: {  	s15 =	sand.u32 $0x1800, s15;
	s16 =	sand.u32 $0x380, s14;
	[tilespmem:v3+s9+$0x0] =	vst.idx.msk $0xffff, v2  }
0xce: {  	s15 =	sor.u32 s16, s15;
	[tilespmem:v14+s9+$0x0] =	vst.idx.msk $0xffff, v2  }
0xcf: {  	v13 =	vld [tilespmem:s15+$0x70]  }
0xd0: {  	v7 =	vld [tilespmem:s15+$0x2010]  }
0xd1: {  	v11 =	vld [tilespmem:s15+$0x420]  }
0xd2: {  	v8 =	vld [tilespmem:s15+$0x2020]  }
0xd3: {  	v3 =	vld [tilespmem:s15+$0x2430]  }
0xd4: {  	v4 =	vld [tilespmem:s15+$0x2420]  }
0xd5: {  	v5 =	vld [tilespmem:s15+$0x2410]  }
0xd6: {  	v6 =	vld [tilespmem:s15+$0x2400]  }
0xd7: {  	v9 =	vld [tilespmem:s15+$0x2070]  }
0xd8: {  	v10 =	vld [tilespmem:s15+$0x2060]  }
0xd9: {  	v12 =	vld [tilespmem:s15+$0x2050]  }
0xda: {  	v15 =	vld [tilespmem:s15+$0x410]  }
0xdb: {  	v22 =	vld [tilespmem:s15+$0x60]  }
0xdc: {  	v23 =	vld [tilespmem:s15+$0x50]  }
0xdd: {  	v24 =	vld [tilespmem:s15+$0x40]  }
0xde: {  	v25 =	vld [tilespmem:s15+$0x30]  }
0xdf: {  	v26 =	vld [tilespmem:s15+$0x20]  }
0xe0: {  	v27 =	vld [tilespmem:s15+$0x10]  }
0xe1: {  	v28 =	vld [tilespmem:s15+$0x0]  }
0xe2: {  	v18 =	vld [tilespmem:s15+$0x430]  }
0xe3: {  	v16 =	vld [tilespmem:s15+$0x2030]  }
0xe4: {  	v21 =	vld [tilespmem:s15+$0x400]  }
0xe5: {  	v17 =	vld [tilespmem:s15+$0x2040]  }
0xe6: {  	v19 =	vld [tilespmem:s15+$0x440]  }
0xe7: {  	v20 =	vld [tilespmem:s15+$0x2000]  }
0xe8: {  	v14 =	vld [tilespmem:s15+$0x2440]  }
0xe9: {  	[tilespmem:v28+s9+$0x0] =	vst.idx.add.s32.msk $0xffff, v0  }
0xea: {  	[tilespmem:v27+s9+$0x0] =	vst.idx.add.s32.msk $0xffff, v0  }
0xeb: {  	[tilespmem:v26+s9+$0x0] =	vst.idx.add.s32.msk $0xffff, v0  }
0xec: {  	[tilespmem:v25+s9+$0x0] =	vst.idx.add.s32.msk $0xffff, v0  }
0xed: {  	[tilespmem:v24+s9+$0x0] =	vst.idx.add.s32.msk $0xffff, v0  }
0xee: {  	[tilespmem:v23+s9+$0x0] =	vst.idx.add.s32.msk $0xffff, v0  }
0xef: {  	[tilespmem:v22+s9+$0x0] =	vst.idx.add.s32.msk $0xffff, v0  }
0xf0: {  	[tilespmem:v13+s9+$0x0] =	vst.idx.add.s32.msk $0xffff, v0  }
0xf1: {  	[tilespmem:v21+s9+$0x0] =	vst.idx.add.s32.msk $0xffff, v0  }
0xf2: {  	[tilespmem:v15+s9+$0x0] =	vst.idx.add.s32.msk $0xffff, v0  }
0xf3: {  	[tilespmem:v11+s9+$0x0] =	vst.idx.add.s32.msk $0xffff, v0  }
0xf4: {  	[tilespmem:v18+s9+$0x0] =	vst.idx.add.s32.msk $0xffff, v0  }
0xf5: {  	[tilespmem:v19+s9+$0x0] =	vst.idx.add.s32.msk $0xffff, v0  }
0xf6: {  	[tilespmem:v20+s9+$0x0] =	vst.idx.add.s32.msk $0xffff, v1  }
0xf7: {  	[tilespmem:v7+s9+$0x0] =	vst.idx.add.s32.msk $0xffff, v1  }
0xf8: {  	[tilespmem:v8+s9+$0x0] =	vst.idx.add.s32.msk $0xffff, v1  }
0xf9: {  	[tilespmem:v16+s9+$0x0] =	vst.idx.add.s32.msk $0xffff, v1  }
0xfa: {  	[tilespmem:v17+s9+$0x0] =	vst.idx.add.s32.msk $0xffff, v1  }
0xfb: {  	[tilespmem:v12+s9+$0x0] =	vst.idx.add.s32.msk $0xffff, v1  }
0xfc: {  	[tilespmem:v10+s9+$0x0] =	vst.idx.add.s32.msk $0xffff, v1  }
0xfd: {  	[tilespmem:v9+s9+$0x0] =	vst.idx.add.s32.msk $0xffff, v1  }
0xfe: {  	[tilespmem:v6+s9+$0x0] =	vst.idx.add.s32.msk $0xffff, v1  }
0xff: {  	[tilespmem:v5+s9+$0x0] =	vst.idx.add.s32.msk $0xffff, v1  }
0x100: {  	[tilespmem:v4+s9+$0x0] =	vst.idx.add.s32.msk $0xffff, v1  }
0x101: {  	[tilespmem:v3+s9+$0x0] =	vst.idx.add.s32.msk $0xffff, v1  }
0x102: {  	[tilespmem:v14+s9+$0x0] =	vst.idx.add.s32.msk $0xffff, v1  }
0x103: {  	v29 =	vld.idx.msk [tilespmem:v28+s9+$0x0], $0xffff;
	_ =	sdelay $0x3  }
0x104: {  	vm0 =	veq.s32 v28, $0x0;
	_ =	sdelay $0x1  }
0x105: {  	v29 =	vsel vm0, $0x0, v29  }
0x106: {  	[tilespmem:s15+$0x0] =	vst v29  }
0x107: {  	v29 =	vld.idx.msk [tilespmem:v27+s9+$0x0], $0xffff;
	_ =	sdelay $0x3  }
0x108: {  	vm0 =	veq.s32 v27, $0x0;
	_ =	sdelay $0x1  }
0x109: {  	v29 =	vsel vm0, $0x0, v29  }
0x10a: {  	[tilespmem:s15+$0x10] =	vst v29  }
0x10b: {  	v29 =	vld.idx.msk [tilespmem:v26+s9+$0x0], $0xffff;
	_ =	sdelay $0x3  }
0x10c: {  	vm0 =	veq.s32 v26, $0x0;
	_ =	sdelay $0x1  }
0x10d: {  	v29 =	vsel vm0, $0x0, v29  }
0x10e: {  	[tilespmem:s15+$0x20] =	vst v29  }
0x10f: {  	v29 =	vld.idx.msk [tilespmem:v25+s9+$0x0], $0xffff;
	_ =	sdelay $0x3  }
0x110: {  	vm0 =	veq.s32 v25, $0x0;
	_ =	sdelay $0x1  }
0x111: {  	v29 =	vsel vm0, $0x0, v29  }
0x112: {  	[tilespmem:s15+$0x30] =	vst v29  }
0x113: {  	v29 =	vld.idx.msk [tilespmem:v24+s9+$0x0], $0xffff;
	_ =	sdelay $0x3  }
0x114: {  	vm0 =	veq.s32 v24, $0x0;
	_ =	sdelay $0x1  }
0x115: {  	v29 =	vsel vm0, $0x0, v29  }
0x116: {  	[tilespmem:s15+$0x40] =	vst v29  }
0x117: {  	v29 =	vld.idx.msk [tilespmem:v23+s9+$0x0], $0xffff;
	_ =	sdelay $0x3  }
0x118: {  	vm0 =	veq.s32 v23, $0x0;
	_ =	sdelay $0x1  }
0x119: {  	v29 =	vsel vm0, $0x0, v29  }
0x11a: {  	[tilespmem:s15+$0x50] =	vst v29  }
0x11b: {  	v29 =	vld.idx.msk [tilespmem:v22+s9+$0x0], $0xffff;
	_ =	sdelay $0x3  }
0x11c: {  	vm0 =	veq.s32 v22, $0x0;
	_ =	sdelay $0x1  }
0x11d: {  	v29 =	vsel vm0, $0x0, v29  }
0x11e: {  	[tilespmem:s15+$0x60] =	vst v29  }
0x11f: {  	v29 =	vld.idx.msk [tilespmem:v13+s9+$0x0], $0xffff;
	_ =	sdelay $0x3  }
0x120: {  	vm0 =	veq.s32 v13, $0x0;
	_ =	sdelay $0x1  }
0x121: {  	v29 =	vsel vm0, $0x0, v29  }
0x122: {  	[tilespmem:s15+$0x70] =	vst v29  }
0x123: {  	v29 =	vld.idx.msk [tilespmem:v21+s9+$0x0], $0xffff;
	_ =	sdelay $0x3  }
0x124: {  	vm0 =	veq.s32 v21, $0x0;
	_ =	sdelay $0x1  }
0x125: {  	v29 =	vsel vm0, $0x0, v29  }
0x126: {  	[tilespmem:s15+$0x400] =	vst v29  }
0x127: {  	v29 =	vld.idx.msk [tilespmem:v15+s9+$0x0], $0xffff;
	_ =	sdelay $0x3  }
0x128: {  	vm0 =	veq.s32 v15, $0x0;
	_ =	sdelay $0x1  }
0x129: {  	v29 =	vsel vm0, $0x0, v29  }
0x12a: {  	[tilespmem:s15+$0x410] =	vst v29  }
0x12b: {  	v29 =	vld.idx.msk [tilespmem:v11+s9+$0x0], $0xffff;
	_ =	sdelay $0x3  }
0x12c: {  	vm0 =	veq.s32 v11, $0x0;
	_ =	sdelay $0x1  }
0x12d: {  	v29 =	vsel vm0, $0x0, v29  }
0x12e: {  	[tilespmem:s15+$0x420] =	vst v29  }
0x12f: {  	v29 =	vld.idx.msk [tilespmem:v18+s9+$0x0], $0xffff;
	_ =	sdelay $0x3  }
0x130: {  	vm0 =	veq.s32 v18, $0x0;
	_ =	sdelay $0x1  }
0x131: {  	v29 =	vsel vm0, $0x0, v29  }
0x132: {  	[tilespmem:s15+$0x430] =	vst v29  }
0x133: {  	v29 =	vld.idx.msk [tilespmem:v19+s9+$0x0], $0xffff;
	_ =	sdelay $0x3  }
0x134: {  	vm0 =	veq.s32 v19, $0x0;
	_ =	sdelay $0x1  }
0x135: {  	v29 =	vsel vm0, $0x0, v29  }
0x136: {  	[tilespmem:s15+$0x440] =	vst v29  }
0x137: {  	v29 =	vld.idx.msk [tilespmem:v20+s9+$0x0], $0xffff;
	_ =	sdelay $0x3  }
0x138: {  	vm0 =	veq.s32 v20, $0x0;
	_ =	sdelay $0x1  }
0x139: {  	v29 =	vsel vm0, $0x0, v29  }
0x13a: {  	[tilespmem:s15+$0x2000] =	vst v29  }
0x13b: {  	v29 =	vld.idx.msk [tilespmem:v7+s9+$0x0], $0xffff;
	_ =	sdelay $0x3  }
0x13c: {  	vm0 =	veq.s32 v7, $0x0;
	_ =	sdelay $0x1  }
0x13d: {  	v29 =	vsel vm0, $0x0, v29  }
0x13e: {  	[tilespmem:s15+$0x2010] =	vst v29  }
0x13f: {  	v29 =	vld.idx.msk [tilespmem:v8+s9+$0x0], $0xffff;
	_ =	sdelay $0x3  }
0x140: {  	vm0 =	veq.s32 v8, $0x0;
	_ =	sdelay $0x1  }
0x141: {  	v29 =	vsel vm0, $0x0, v29  }
0x142: {  	[tilespmem:s15+$0x2020] =	vst v29  }
0x143: {  	v29 =	vld.idx.msk [tilespmem:v16+s9+$0x0], $0xffff;
	_ =	sdelay $0x3  }
0x144: {  	vm0 =	veq.s32 v16, $0x0;
	_ =	sdelay $0x1  }
0x145: {  	v29 =	vsel vm0, $0x0, v29  }
0x146: {  	[tilespmem:s15+$0x2030] =	vst v29  }
0x147: {  	v29 =	vld.idx.msk [tilespmem:v17+s9+$0x0], $0xffff;
	_ =	sdelay $0x3  }
0x148: {  	vm0 =	veq.s32 v17, $0x0;
	_ =	sdelay $0x1  }
0x149: {  	v29 =	vsel vm0, $0x0, v29  }
0x14a: {  	[tilespmem:s15+$0x2040] =	vst v29  }
0x14b: {  	v29 =	vld.idx.msk [tilespmem:v12+s9+$0x0], $0xffff;
	_ =	sdelay $0x3  }
0x14c: {  	vm0 =	veq.s32 v12, $0x0;
	_ =	sdelay $0x1  }
0x14d: {  	v29 =	vsel vm0, $0x0, v29  }
0x14e: {  	[tilespmem:s15+$0x2050] =	vst v29  }
0x14f: {  	v29 =	vld.idx.msk [tilespmem:v10+s9+$0x0], $0xffff;
	_ =	sdelay $0x3  }
0x150: {  	vm0 =	veq.s32 v10, $0x0;
	_ =	sdelay $0x1  }
0x151: {  	v29 =	vsel vm0, $0x0, v29  }
0x152: {  	[tilespmem:s15+$0x2060] =	vst v29  }
0x153: {  	v29 =	vld.idx.msk [tilespmem:v9+s9+$0x0], $0xffff;
	_ =	sdelay $0x3  }
0x154: {  	vm0 =	veq.s32 v9, $0x0;
	_ =	sdelay $0x1  }
0x155: {  	v29 =	vsel vm0, $0x0, v29  }
0x156: {  	[tilespmem:s15+$0x2070] =	vst v29  }
0x157: {  	v29 =	vld.idx.msk [tilespmem:v6+s9+$0x0], $0xffff;
	_ =	sdelay $0x3  }
0x158: {  	vm0 =	veq.s32 v6, $0x0;
	_ =	sdelay $0x1  }
0x159: {  	v29 =	vsel vm0, $0x0, v29  }
0x15a: {  	[tilespmem:s15+$0x2400] =	vst v29  }
0x15b: {  	v29 =	vld.idx.msk [tilespmem:v5+s9+$0x0], $0xffff;
	_ =	sdelay $0x3  }
0x15c: {  	vm0 =	veq.s32 v5, $0x0;
	_ =	sdelay $0x1  }
0x15d: {  	v29 =	vsel vm0, $0x0, v29  }
0x15e: {  	[tilespmem:s15+$0x2410] =	vst v29  }
0x15f: {  	v29 =	vld.idx.msk [tilespmem:v4+s9+$0x0], $0xffff;
	_ =	sdelay $0x3  }
0x160: {  	vm0 =	veq.s32 v4, $0x0;
	_ =	sdelay $0x1  }
0x161: {  	v29 =	vsel vm0, $0x0, v29  }
0x162: {  	[tilespmem:s15+$0x2420] =	vst v29  }
0x163: {  	v29 =	vld.idx.msk [tilespmem:v3+s9+$0x0], $0xffff;
	_ =	sdelay $0x3  }
0x164: {  	vm0 =	veq.s32 v3, $0x0;
	_ =	sdelay $0x1  }
0x165: {  	v29 =	vsel vm0, $0x0, v29  }
0x166: {  	[tilespmem:s15+$0x2430] =	vst v29  }
0x167: {  	v29 =	vld.idx.msk [tilespmem:v14+s9+$0x0], $0xffff;
	_ =	sdelay $0x3  }
0x168: {  	vm0 =	veq.s32 v14, $0x0;
	_ =	sdelay $0x1  }
0x169: {  	v29 =	vsel vm0, $0x0, v29  }
0x16a: {  	[tilespmem:s15+$0x2440] =	vst v29  }
0x16b: {  	[tilespmem:v28+s9+$0x0] =	vst.idx.msk $0xffff, v2  }
0x16c: {  	[tilespmem:v27+s9+$0x0] =	vst.idx.msk $0xffff, v2  }
.Ltmp0:
0x16d: {  	[tilespmem:v26+s9+$0x0] =	vst.idx.msk $0xffff, v2;
	(pc) =	sbr.rel @p0 .LBB2_2-.Ltmp0, $4  }
0x16e: {  	[tilespmem:v25+s9+$0x0] =	vst.idx.msk $0xffff, v2  }
0x16f: {  	[tilespmem:v24+s9+$0x0] =	vst.idx.msk $0xffff, v2  }
0x170: {  	[tilespmem:v23+s9+$0x0] =	vst.idx.msk $0xffff, v2  }
0x171: {  	[tilespmem:v22+s9+$0x0] =	vst.idx.msk $0xffff, v2  }
0x172: {  	_ =	sdelay $0x3  }
0x173: {  	[tilespmem:v13+s9+$0x0] =	vst.idx.msk $0xffff, v2  }
0x174: {  	[tilespmem:v21+s9+$0x0] =	vst.idx.msk $0xffff, v2  }
0x175: {  	[tilespmem:v15+s9+$0x0] =	vst.idx.msk $0xffff, v2  }
0x176: {  	[tilespmem:v11+s9+$0x0] =	vst.idx.msk $0xffff, v2  }
0x177: {  	[tilespmem:v18+s9+$0x0] =	vst.idx.msk $0xffff, v2  }
0x178: {  	[tilespmem:v19+s9+$0x0] =	vst.idx.msk $0xffff, v2  }
0x179: {  	[tilespmem:v20+s9+$0x0] =	vst.idx.msk $0xffff, v2  }
0x17a: {  	[tilespmem:v7+s9+$0x0] =	vst.idx.msk $0xffff, v2  }
0x17b: {  	[tilespmem:v8+s9+$0x0] =	vst.idx.msk $0xffff, v2  }
0x17c: {  	[tilespmem:v16+s9+$0x0] =	vst.idx.msk $0xffff, v2  }
0x17d: {  	[tilespmem:v17+s9+$0x0] =	vst.idx.msk $0xffff, v2  }
0x17e: {  	[tilespmem:v12+s9+$0x0] =	vst.idx.msk $0xffff, v2  }
0x17f: {  	[tilespmem:v10+s9+$0x0] =	vst.idx.msk $0xffff, v2  }
0x180: {  	[tilespmem:v9+s9+$0x0] =	vst.idx.msk $0xffff, v2  }
0x181: {  	[tilespmem:v6+s9+$0x0] =	vst.idx.msk $0xffff, v2  }
0x182: {  	[tilespmem:v5+s9+$0x0] =	vst.idx.msk $0xffff, v2  }
0x183: {  	[tilespmem:v4+s9+$0x0] =	vst.idx.msk $0xffff, v2  }
0x184: {  	[tilespmem:v3+s9+$0x0] =	vst.idx.msk $0xffff, v2  }
0x185: {  	[tilespmem:v14+s9+$0x0] =	vst.idx.msk $0xffff, v2  }
0x186: {  	[hbm4b:s6+s2] =	stream.linear.scatter [tilespmem:s2], [sflag:$0x1], $0x2000, $0x38;
	[tilespmem:$0x1C700] =	vst v63  }
0x187: {  	s12 =	sadd.s32 $0x1, s12;
	_ =	swait.ge [sflag:s10], $0x2000  }
0x188: {  	p0 =	sne.s32 s12, s8;
	[sflag:s10] =	ssyncset.done $0x0  }
.Ltmp1:
0x189: {  	[sflag:s10] =	ssyncadd.s32 $0xFFFFE000;
	(pc) =	sbr.rel @p0 .LBB2_1-.Ltmp1, $4  }
0x18a: {  	[hbm4b:s7+s2] =	stream.linear.scatter [tilespmem:s11], [sflag:$0x1], $0x2000, $0x38;
	[tilespmem:$0x1C700] =	vst v63  }
0x18b: {  	_ =	swait.ge [sflag:s10], $0x2000  }
0x18c: {  	[sflag:s10] =	ssyncset.done $0x0  }
0x18d: {  	[sflag:s10] =	ssyncadd.s32 $0xFFFFE000  }
0x18e: {  	_ =	sfence.sel $0x180000  }
0x18f: {  	[bflag:$0x0] =	sbarrier.arrive $0xFFFF  }
0x190: {  	p0 =	sne.s32 s1, $0x0;
	_ =	strace $0x90000047  }
0x191: {  	s0 =	sadd.s32 @!p0 $0x100000, s0;
	[bflag:$0x2] =	sbarrier.arrive $0xFFFF  }
0x192: {  	[sflag:s0] =	ssyncadd.tile.s32 @!p0 $0x1;
	_ =	shalt  }
.Lfunc_end2:
_tile_overlayer_lowered:
.L_overlay_start_2:
0x193: {  	(tag) =	ssettag $0x2  }
0x194: {  	s0 =	rddreg [dreg:$0x0];
	s2 =	stileid.u32  }
0x195: {  	s1 =	rddreg [dreg:$0x1];
	p0 =	sne.s32 s2, $0x0  }
0x196: {  	s3 =	rddreg [dreg:$0x2];
	[bflag:$0x3] =	sbarrier.arrive $0xFFFF;
	s2 =	simm.s32 @!p0 $0x1C01  }
0x197: {  	[timem:s3], [sflag:s2] =	dma.local @!p0 [hbm:s0], s1  }
0x198: {  	s0 =	simm.s32 @!p0 $0x1  }
0x199: {  	_ =	swait.ge @!p0 [sflag:s0], s1  }
0x19a: {  	s1 =	ssub.s32 @!p0 $0x0, s1;
	[sflag:s0] =	ssyncset.done @!p0 $0x0  }
0x19b: {  	[sflag:s0] =	ssyncadd.s32 @!p0 s1  }
0x19c: {  	[bflag:$0x3] =	sbarrier.arrive $0xFFFF  }
0x19d: {  	_ =	shalt  }

</sc_bundles>
